<compile_context>
chip_gen: v7x
topology: tpu7x:2x2x1
jax: 0.10.2.dev20260603
libtpu: 0.0.44.dev20260713+nightly
codegen_flags: <defaults>
</compile_context>

<pallas_src>
import functools

import jax
import jax.numpy as jnp
from jax import lax
from jax.experimental import pallas as pl
from jax.experimental.pallas import tpu as pltpu
from jax.experimental.pallas import tpu_sc as plsc

B = 16
N = 2048
S = 256
RADII = (0.1, 0.2, 0.4)
NSAMPLES = (16, 32, 128)
SH = 128



def _fps_body(xt_ref, cent_ref):
    x = xt_ref[0]
    y = xt_ref[1]
    z = xt_ref[2]
    iota_n = lax.broadcasted_iota(jnp.int32, (B, N), 1)
    iota_s = lax.broadcasted_iota(jnp.int32, (B, S), 1)

    def body(i, state):
        dist, far, ncx, ncy, ncz = state
        onehot = iota_n == far
        cx = jnp.sum(jnp.where(onehot, x, 0.0), axis=1, keepdims=True)
        cy = jnp.sum(jnp.where(onehot, y, 0.0), axis=1, keepdims=True)
        cz = jnp.sum(jnp.where(onehot, z, 0.0), axis=1, keepdims=True)
        sel = iota_s == i
        ncx = jnp.where(sel, cx, ncx)
        ncy = jnp.where(sel, cy, ncy)
        ncz = jnp.where(sel, cz, ncz)
        d = (x - cx) ** 2 + (y - cy) ** 2 + (z - cz) ** 2
        dist = jnp.minimum(dist, d)
        m = jnp.max(dist, axis=1, keepdims=True)
        far = jnp.min(jnp.where(dist == m, iota_n, N), axis=1, keepdims=True)
        return dist, far, ncx, ncy, ncz

    dist0 = jnp.full((B, N), 1e10, jnp.float32)
    far0 = jnp.zeros((B, 1), jnp.int32)
    z0 = jnp.zeros((B, S), jnp.float32)
    _, _, ncx, ncy, ncz = lax.fori_loop(0, S, body, (dist0, far0, z0, z0, z0))
    cent_ref[0] = ncx
    cent_ref[1] = ncy
    cent_ref[2] = ncz


def _run_fps(xt):
    return pl.pallas_call(
        _fps_body,
        out_shape=jax.ShapeDtypeStruct((3, B, S), jnp.float32),
    )(xt)



def _mask_body(ca_ref, xt_ref, code_ref):
    ca = ca_ref[0]
    xb = xt_ref[0]
    m = jnp.dot(ca, xb, preferred_element_type=jnp.float32)
    cn = jnp.sum(ca * ca, axis=1, keepdims=True)
    pn = jnp.sum(xb * xb, axis=0, keepdims=True)
    sqr = -2.0 * m
    sqr = sqr + cn
    sqr = sqr + pn
    code = jnp.where(sqr <= RADII[0] * RADII[0], 1, 0)
    code = code + jnp.where(sqr <= RADII[1] * RADII[1], 2, 0)
    code = code + jnp.where(sqr <= RADII[2] * RADII[2], 4, 0)
    code_ref[0] = code


def _run_mask(ca, xtb):
    return pl.pallas_call(
        _mask_body,
        grid=(B,),
        in_specs=[
            pl.BlockSpec((1, S, 3), lambda i: (i, 0, 0)),
            pl.BlockSpec((1, 3, N), lambda i: (i, 0, 0)),
        ],
        out_specs=pl.BlockSpec((1, S, N), lambda i: (i, 0, 0)),
        out_shape=jax.ShapeDtypeStruct((B, S, N), jnp.int32),
    )(ca, xtb)



def _group_body(xt_hbm, cent_hbm, code_hbm, g0_hbm, g1_hbm, g2_hbm,
                xs_v, ys_v, zs_v, cent_v, crow_v, ib0, ib1, ib2,
                ob0, ob1, ob2):
    cid = lax.axis_index("c")
    sid = lax.axis_index("s")
    b = sid
    s0 = cid * SH

    pltpu.sync_copy(xt_hbm.at[0, b], xs_v)
    pltpu.sync_copy(xt_hbm.at[1, b], ys_v)
    pltpu.sync_copy(xt_hbm.at[2, b], zs_v)
    pltpu.sync_copy(cent_hbm.at[0, b, pl.ds(s0, SH)], cent_v.at[pl.ds(0, SH)])
    pltpu.sync_copy(cent_hbm.at[1, b, pl.ds(s0, SH)], cent_v.at[pl.ds(SH, SH)])
    pltpu.sync_copy(cent_hbm.at[2, b, pl.ds(s0, SH)], cent_v.at[pl.ds(2 * SH, SH)])

    lanes = lax.iota(jnp.int32, 16)
    zero16 = jnp.zeros((16,), jnp.int32)
    scales = ((NSAMPLES[0], ib0, ob0),
              (NSAMPLES[1], ib1, ob1),
              (NSAMPLES[2], ib2, ob2))

    def run_s(s, _):
        pltpu.sync_copy(code_hbm.at[b, s0 + s], crow_v)
        sv = jnp.zeros((16,), jnp.int32) + s
        cx = plsc.load_gather(cent_v, [sv])
        cy = plsc.load_gather(cent_v, [sv + SH])
        cz = plsc.load_gather(cent_v, [sv + 2 * SH])

        def scan_chunk(c, state):
            cnts, mns = state
            base = c * 16
            cv = crow_v[pl.ds(base, 16)]
            inds = base + lanes
            new_cnts = []
            new_mns = []
            for bit, ((nsamp, ib, ob), cn, mn) in enumerate(
                    zip(scales, cnts, mns)):
                msk = (cv & (1 << bit)) != 0
                csum = plsc.cumsum(jnp.where(msk, 1, 0))
                pos = cn + csum - 1
                wmask = msk & (pos < nsamp)
                plsc.store_scatter(ib, [pos], inds, mask=wmask)
                new_cnts.append(cn + plsc.all_reduce_population_count(msk))
                new_mns.append(jnp.minimum(mn, jnp.where(msk, inds, 1 << 30)))
            return tuple(new_cnts), tuple(new_mns)

        big16 = jnp.zeros((16,), jnp.int32) + (1 << 30)
        cnts, mns = lax.fori_loop(
            0, N // 16, scan_chunk,
            ((zero16, zero16, zero16), (big16, big16, big16)))

        for (nsamp, ib, ob), cn, mn in zip(scales, cnts, mns):
            fs = jnp.min(mn)
            first = jnp.minimum(jnp.zeros((16,), jnp.int32) + fs, N - 1)
            obase = s * nsamp * 3
            for j in range(nsamp // 16):
                posj = j * 16 + lanes
                iv = ib[pl.ds(j * 16, 16)]
                ivf = jnp.where(posj < cn, iv, first)
                gx = plsc.load_gather(xs_v, [ivf]) - cx
                gy = plsc.load_gather(ys_v, [ivf]) - cy
                gz = plsc.load_gather(zs_v, [ivf]) - cz
                tgt = (obase + (j * 16 + lanes) * 3)
                plsc.store_scatter(ob, [tgt], gx)
                plsc.store_scatter(ob, [tgt + 1], gy)
                plsc.store_scatter(ob, [tgt + 2], gz)
        return 0

    lax.fori_loop(0, SH, run_s, 0)

    for (nsamp, ib, ob), g_hbm in zip(scales, (g0_hbm, g1_hbm, g2_hbm)):
        off = (b * S + s0) * nsamp * 3
        pltpu.sync_copy(ob, g_hbm.at[pl.ds(off, SH * nsamp * 3)])


def _run_group(xt, cent, code):
    mesh = plsc.VectorSubcoreMesh(core_axis_name="c", subcore_axis_name="s")
    k = functools.partial(
        pl.kernel,
        mesh=mesh,
        compiler_params=pltpu.CompilerParams(needs_layout_passes=False),
        out_type=[
            jax.ShapeDtypeStruct((B * S * NSAMPLES[0] * 3,), jnp.float32),
            jax.ShapeDtypeStruct((B * S * NSAMPLES[1] * 3,), jnp.float32),
            jax.ShapeDtypeStruct((B * S * NSAMPLES[2] * 3,), jnp.float32),
        ],
        scratch_types=[
            pltpu.VMEM((N,), jnp.float32),
            pltpu.VMEM((N,), jnp.float32),
            pltpu.VMEM((N,), jnp.float32),
            pltpu.VMEM((3 * SH,), jnp.float32),
            pltpu.VMEM((N,), jnp.int32),
            pltpu.VMEM((256,), jnp.int32),
            pltpu.VMEM((256,), jnp.int32),
            pltpu.VMEM((256,), jnp.int32),
            pltpu.VMEM((SH * NSAMPLES[0] * 3,), jnp.float32),
            pltpu.VMEM((SH * NSAMPLES[1] * 3,), jnp.float32),
            pltpu.VMEM((SH * NSAMPLES[2] * 3,), jnp.float32),
        ],
    )(_group_body)
    return k(xt, cent, code)



def _mlp_body(G, ns, C3, g_ref, w1_ref, b1_ref, w2_ref, b2_ref, w3_ref,
              b3_ref, wp_ref, out_ref):
    g = g_ref[...]
    h = jnp.dot(g, w1_ref[...], preferred_element_type=jnp.float32) + b1_ref[...]
    h = jnp.maximum(h, 0.0)
    h = jnp.dot(h, w2_ref[...], preferred_element_type=jnp.float32) + b2_ref[...]
    h = jnp.maximum(h, 0.0)
    h = jnp.dot(h, w3_ref[...], preferred_element_type=jnp.float32) + b3_ref[...]
    h = jnp.maximum(h, 0.0)
    f = jnp.max(h.reshape(G, ns, C3), axis=1)
    out_ref[...] = jnp.dot(f, wp_ref[...], preferred_element_type=jnp.float32)


def _run_mlp(g, ns, G, w1t, b1, w2t, b2, w3t, b3, wp):
    R = B * S
    P = G * ns
    C1, C2, C3 = w1t.shape[1], w2t.shape[1], w3t.shape[1]
    body = functools.partial(_mlp_body, G, ns, C3)
    rep = lambda i: (0, 0)
    return pl.pallas_call(
        body,
        grid=(R // G,),
        in_specs=[
            pl.BlockSpec((P, 3), lambda i: (i, 0)),
            pl.BlockSpec((3, C1), rep),
            pl.BlockSpec((1, C1), rep),
            pl.BlockSpec((C1, C2), rep),
            pl.BlockSpec((1, C2), rep),
            pl.BlockSpec((C2, C3), rep),
            pl.BlockSpec((1, C3), rep),
            pl.BlockSpec((C3, 1), rep),
        ],
        out_specs=pl.BlockSpec((G, 1), lambda i: (i, 0)),
        out_shape=jax.ShapeDtypeStruct((R, 1), jnp.float32),
    )(g, w1t, b1, w2t, b2, w3t, b3, wp)



def kernel(xyz, W0_0, b0_0, W0_1, b0_1, W0_2, b0_2, W1_0, b1_0, W1_1, b1_1,
           W1_2, b1_2, W2_0, b2_0, W2_1, b2_1, W2_2, b2_2, Wp, bp):
    xt = jnp.transpose(xyz, (2, 0, 1))
    cent = _run_fps(xt)
    code = _run_mask(jnp.transpose(cent, (1, 2, 0)), jnp.transpose(xyz, (0, 2, 1)))
    g0, g1, g2 = _run_group(xt, cent, code)

    weights = (
        (W0_0, b0_0, W0_1, b0_1, W0_2, b0_2),
        (W1_0, b1_0, W1_1, b1_1, W1_2, b1_2),
        (W2_0, b2_0, W2_1, b2_1, W2_2, b2_2),
    )
    c3s = (32, 64, 64)
    gs = (g0, g1, g2)
    Gs = (256, 128, 64)
    parts = []
    off = 0
    for k in range(3):
        w1, bb1, w2, bb2, w3, bb3 = weights[k]
        ns = NSAMPLES[k]
        c3 = c3s[k]
        wp_k = Wp[0, off:off + c3].reshape(c3, 1)
        off += c3
        g2d = gs[k].reshape(B * S * ns, 3)
        parts.append(_run_mlp(
            g2d, ns, Gs[k],
            w1.T, bb1.reshape(1, -1),
            w2.T, bb2.reshape(1, -1),
            w3.T, bb3.reshape(1, -1),
            wp_k))
    out = (parts[0] + parts[1] + parts[2]).reshape(B, 1, S) + bp[0]
    return out

# --- scband reference (transcript-rebuilt; emitter-appended) ---
"""Pipeline reference for scband-discriminator-18107582120628 (READ-ONLY COPY).

The authoritative reference and input builder live on the scoring server;
editing this copy changes nothing except your own understanding.
"""

import jax, jax.numpy as jnp
import numpy as np

B = 16
N = 2048
NPOINT = 256
RADII = (0.1, 0.2, 0.4)
NSAMPLES = (16, 32, 128)
MLPS = ((3, 16, 16, 32), (3, 32, 32, 64), (3, 32, 48, 64))


def square_distance(src, dst):
    d = -2.0 * jnp.matmul(src, jnp.swapaxes(dst, 1, 2))
    d = d + jnp.sum(src ** 2, axis=-1)[:, :, None]
    d = d + jnp.sum(dst ** 2, axis=-1)[:, None, :]
    return d


def index_points(points, idx):
    b = points.shape[0]
    batch = jnp.arange(b).reshape((b,) + (1,) * (idx.ndim - 1))
    return points[batch, idx]


def fps(xyz, npoint):
    b, n, _ = xyz.shape

    def body(i, state):
        dist, far, idxs = state
        idxs = idxs.at[:, i].set(far)
        centroid = index_points(xyz, far[:, None])
        d = jnp.sum((xyz - centroid) ** 2, axis=-1)
        dist = jnp.minimum(dist, d)
        far = jnp.argmax(dist, axis=-1).astype(jnp.int32)
        return (dist, far, idxs)

    dist0 = jnp.full((b, n), 1e10, dtype=xyz.dtype)
    far0 = jnp.zeros((b,), dtype=jnp.int32)
    idxs0 = jnp.zeros((b, npoint), dtype=jnp.int32)
    _, _, idxs = jax.lax.fori_loop(0, npoint, body, (dist0, far0, idxs0))
    return idxs


def ball_query(radius, nsample, xyz, new_xyz):
    b, n, _ = xyz.shape
    s = new_xyz.shape[1]
    sqr = square_distance(new_xyz, xyz)
    gidx = jnp.broadcast_to(jnp.arange(n, dtype=jnp.int32), (b, s, n))
    gidx = jnp.where(sqr > radius * radius, n, gidx)
    gidx = jnp.sort(gidx, axis=-1)[:, :, :nsample]
    first = gidx[:, :, :1]
    gidx = jnp.where(gidx == n, jnp.broadcast_to(first, gidx.shape), gidx)
    return gidx


def _forward(xyz, W0_0, b0_0, W0_1, b0_1, W0_2, b0_2, W1_0, b1_0, W1_1, b1_1, W1_2, b1_2, W2_0, b2_0, W2_1, b2_1, W2_2, b2_2, Wp, bp):
    scales = (
        ((W0_0, b0_0), (W0_1, b0_1), (W0_2, b0_2)),
        ((W1_0, b1_0), (W1_1, b1_1), (W1_2, b1_2)),
        ((W2_0, b2_0), (W2_1, b2_1), (W2_2, b2_2)),
    )
    xyz_c = jax.lax.stop_gradient(xyz)
    fps_idx = fps(xyz_c, NPOINT)
    new_xyz = index_points(xyz, fps_idx)
    feats = []
    for radius, nsample, layers in zip(RADII, NSAMPLES, scales):
        idx = ball_query(radius, nsample, xyz_c, jax.lax.stop_gradient(new_xyz))
        grouped = index_points(xyz, idx) - new_xyz[:, :, None, :]
        h = grouped
        for W, bvec in layers:
            h = jnp.einsum('bsnc,oc->bsno', h, W) + bvec
            h = jax.nn.relu(h)
        feats.append(jnp.max(h, axis=2))
    f = jnp.concatenate(feats, axis=-1)
    out = jnp.einsum('bsc,oc->bos', f, Wp) + bp[None, :, None]
    return out


def setup_inputs(seed: int = 0):
    key = jax.random.key(seed)
    inp = {"xyz": jax.random.uniform(jax.random.fold_in(key, 0), (B, N, 3), dtype=jnp.float32)}
    for s, dims in enumerate(MLPS):
        for l in range(len(dims) - 1):
            inp["W%d_%d" % (s, l)] = jax.random.normal(jax.random.fold_in(key, 100 * s + l + 1), (dims[l + 1], dims[l]), dtype=jnp.float32) * 0.1
            inp["b%d_%d" % (s, l)] = jnp.zeros((dims[l + 1],), dtype=jnp.float32)
    inp["Wp"] = jax.random.normal(jax.random.fold_in(key, 999), (1, 160), dtype=jnp.float32) * 0.1
    inp["bp"] = jnp.zeros((1,), dtype=jnp.float32)
    return inp


def reference(xyz, W0_0, b0_0, W0_1, b0_1, W0_2, b0_2, W1_0, b1_0, W1_1, b1_1, W1_2, b1_2, W2_0, b2_0, W2_1, b2_1, W2_2, b2_2, Wp, bp):
    return _forward(xyz, W0_0, b0_0, W0_1, b0_1, W0_2, b0_2, W1_0, b1_0, W1_1, b1_1, W1_2, b1_2, W2_0, b2_0, W2_1, b2_1, W2_2, b2_2, Wp, bp)

if __name__ == "__main__":
    import jax
    _d = setup_inputs()
    print(jax.jit(kernel)(*tuple(_d.values())))

</pallas_src>

<mosaic_0001>
#map = affine_map<(d0, d1) -> (0, 0, 0)>
#map1 = affine_map<(d0, d1) -> (0)>
module attributes {stable_mosaic.version = 14 : i64} {
  func.func @_group_body(%arg0: i32, %arg1: i32, %arg2: memref<3x16x2048xf32, #tpu.memory_space<hbm>>, %arg3: memref<3x16x256xf32, #tpu.memory_space<hbm>>, %arg4: memref<16x256x2048xi32, #tpu.memory_space<hbm>>, %arg5: memref<196608xf32, #tpu.memory_space<hbm>>, %arg6: memref<393216xf32, #tpu.memory_space<hbm>>, %arg7: memref<1572864xf32, #tpu.memory_space<hbm>>, %arg8: memref<2048xf32, #tpu.memory_space<vmem>>, %arg9: memref<2048xf32, #tpu.memory_space<vmem>>, %arg10: memref<2048xf32, #tpu.memory_space<vmem>>, %arg11: memref<384xf32, #tpu.memory_space<vmem>>, %arg12: memref<2048xi32, #tpu.memory_space<vmem>>, %arg13: memref<256xi32, #tpu.memory_space<vmem>>, %arg14: memref<256xi32, #tpu.memory_space<vmem>>, %arg15: memref<256xi32, #tpu.memory_space<vmem>>, %arg16: memref<6144xf32, #tpu.memory_space<vmem>>, %arg17: memref<12288xf32, #tpu.memory_space<vmem>>, %arg18: memref<49152xf32, #tpu.memory_space<vmem>>) attributes {dimension_semantics = [#tpu.dimension_semantics<core_parallel>, #tpu.dimension_semantics<subcore_parallel>], iteration_bounds = array<i64: 2, 16>, scalar_prefetch = 0 : i64, scratch_operands = 11 : i64, tpu.core_type = #tpu.core_type<sc_vector_subcore>, window_params = [{transform_indices = #map}, {transform_indices = #map}, {transform_indices = #map}, {transform_indices = #map1}, {transform_indices = #map1}, {transform_indices = #map1}]} {
    %mul3A = arith.constant 128 : i32
    %mul3A_0 = arith.muli %arg0, %mul3A : i32
    %run_scoped3A = arith.constant 0 : i32
    "tpu.region"() ({
      %run_scoped3A_33 = tpu.sem_alloc : memref<!tpu.dma_semaphore, #tpu.memory_space<semaphore_mem>>
      %dma_start3A = arith.constant 0 : i32
      %dma_start3A_34 = tpu.memref_slice %arg2[%run_scoped3A, %arg1, %dma_start3A] : memref<3x16x2048xf32, #tpu.memory_space<hbm>> -> memref<1x1x2048xf32, #tpu.memory_space<hbm>>
      %dma_start3A_35 = tpu.memref_squeeze %dma_start3A_34 : memref<1x1x2048xf32, #tpu.memory_space<hbm>> -> memref<2048xf32, #tpu.memory_space<hbm>>
      %dma_start3A_36 = arith.constant 0 : i32
      %dma_start3A_37 = tpu.memref_slice %arg2[%run_scoped3A, %arg1, %dma_start3A_36] : memref<3x16x2048xf32, #tpu.memory_space<hbm>> -> memref<1x1x2048xf32, #tpu.memory_space<hbm>>
      %dma_start3A_38 = tpu.memref_squeeze %dma_start3A_37 : memref<1x1x2048xf32, #tpu.memory_space<hbm>> -> memref<2048xf32, #tpu.memory_space<hbm>>
      tpu.enqueue_dma source(%dma_start3A_38 : memref<2048xf32, #tpu.memory_space<hbm>>) target(%arg8 : memref<2048xf32, #tpu.memory_space<vmem>>) target_semaphore(%run_scoped3A_33 : memref<!tpu.dma_semaphore, #tpu.memory_space<semaphore_mem>>)
      %dma_wait3A = arith.constant 0 : i32
      %dma_wait3A_39 = tpu.memref_slice %arg2[%run_scoped3A, %arg1, %dma_wait3A] : memref<3x16x2048xf32, #tpu.memory_space<hbm>> -> memref<1x1x2048xf32, #tpu.memory_space<hbm>>
      %dma_wait3A_40 = tpu.memref_squeeze %dma_wait3A_39 : memref<1x1x2048xf32, #tpu.memory_space<hbm>> -> memref<2048xf32, #tpu.memory_space<hbm>>
      %dma_wait3A_41 = arith.constant 0 : i32
      %dma_wait3A_42 = tpu.memref_slice %arg2[%run_scoped3A, %arg1, %dma_wait3A_41] : memref<3x16x2048xf32, #tpu.memory_space<hbm>> -> memref<1x1x2048xf32, #tpu.memory_space<hbm>>
      %dma_wait3A_43 = tpu.memref_squeeze %dma_wait3A_42 : memref<1x1x2048xf32, #tpu.memory_space<hbm>> -> memref<2048xf32, #tpu.memory_space<hbm>>
      tpu.wait_dma2 semaphore(%run_scoped3A_33 : memref<!tpu.dma_semaphore, #tpu.memory_space<semaphore_mem>>) src(%dma_wait3A_43 : memref<2048xf32, #tpu.memory_space<hbm>>) dst(%arg8 : memref<2048xf32, #tpu.memory_space<vmem>>)
      tpu.yield
    }) : () -> ()
    %run_scoped3A_1 = arith.constant 1 : i32
    "tpu.region"() ({
      %run_scoped3A_33 = tpu.sem_alloc : memref<!tpu.dma_semaphore, #tpu.memory_space<semaphore_mem>>
      %dma_start3A = arith.constant 0 : i32
      %dma_start3A_34 = tpu.memref_slice %arg2[%run_scoped3A_1, %arg1, %dma_start3A] : memref<3x16x2048xf32, #tpu.memory_space<hbm>> -> memref<1x1x2048xf32, #tpu.memory_space<hbm>>
      %dma_start3A_35 = tpu.memref_squeeze %dma_start3A_34 : memref<1x1x2048xf32, #tpu.memory_space<hbm>> -> memref<2048xf32, #tpu.memory_space<hbm>>
      %dma_start3A_36 = arith.constant 0 : i32
      %dma_start3A_37 = tpu.memref_slice %arg2[%run_scoped3A_1, %arg1, %dma_start3A_36] : memref<3x16x2048xf32, #tpu.memory_space<hbm>> -> memref<1x1x2048xf32, #tpu.memory_space<hbm>>
      %dma_start3A_38 = tpu.memref_squeeze %dma_start3A_37 : memref<1x1x2048xf32, #tpu.memory_space<hbm>> -> memref<2048xf32, #tpu.memory_space<hbm>>
      tpu.enqueue_dma source(%dma_start3A_38 : memref<2048xf32, #tpu.memory_space<hbm>>) target(%arg9 : memref<2048xf32, #tpu.memory_space<vmem>>) target_semaphore(%run_scoped3A_33 : memref<!tpu.dma_semaphore, #tpu.memory_space<semaphore_mem>>)
      %dma_wait3A = arith.constant 0 : i32
      %dma_wait3A_39 = tpu.memref_slice %arg2[%run_scoped3A_1, %arg1, %dma_wait3A] : memref<3x16x2048xf32, #tpu.memory_space<hbm>> -> memref<1x1x2048xf32, #tpu.memory_space<hbm>>
      %dma_wait3A_40 = tpu.memref_squeeze %dma_wait3A_39 : memref<1x1x2048xf32, #tpu.memory_space<hbm>> -> memref<2048xf32, #tpu.memory_space<hbm>>
      %dma_wait3A_41 = arith.constant 0 : i32
      %dma_wait3A_42 = tpu.memref_slice %arg2[%run_scoped3A_1, %arg1, %dma_wait3A_41] : memref<3x16x2048xf32, #tpu.memory_space<hbm>> -> memref<1x1x2048xf32, #tpu.memory_space<hbm>>
      %dma_wait3A_43 = tpu.memref_squeeze %dma_wait3A_42 : memref<1x1x2048xf32, #tpu.memory_space<hbm>> -> memref<2048xf32, #tpu.memory_space<hbm>>
      tpu.wait_dma2 semaphore(%run_scoped3A_33 : memref<!tpu.dma_semaphore, #tpu.memory_space<semaphore_mem>>) src(%dma_wait3A_43 : memref<2048xf32, #tpu.memory_space<hbm>>) dst(%arg9 : memref<2048xf32, #tpu.memory_space<vmem>>)
      tpu.yield
    }) : () -> ()
    %run_scoped3A_2 = arith.constant 2 : i32
    "tpu.region"() ({
      %run_scoped3A_33 = tpu.sem_alloc : memref<!tpu.dma_semaphore, #tpu.memory_space<semaphore_mem>>
      %dma_start3A = arith.constant 0 : i32
      %dma_start3A_34 = tpu.memref_slice %arg2[%run_scoped3A_2, %arg1, %dma_start3A] : memref<3x16x2048xf32, #tpu.memory_space<hbm>> -> memref<1x1x2048xf32, #tpu.memory_space<hbm>>
      %dma_start3A_35 = tpu.memref_squeeze %dma_start3A_34 : memref<1x1x2048xf32, #tpu.memory_space<hbm>> -> memref<2048xf32, #tpu.memory_space<hbm>>
      %dma_start3A_36 = arith.constant 0 : i32
      %dma_start3A_37 = tpu.memref_slice %arg2[%run_scoped3A_2, %arg1, %dma_start3A_36] : memref<3x16x2048xf32, #tpu.memory_space<hbm>> -> memref<1x1x2048xf32, #tpu.memory_space<hbm>>
      %dma_start3A_38 = tpu.memref_squeeze %dma_start3A_37 : memref<1x1x2048xf32, #tpu.memory_space<hbm>> -> memref<2048xf32, #tpu.memory_space<hbm>>
      tpu.enqueue_dma source(%dma_start3A_38 : memref<2048xf32, #tpu.memory_space<hbm>>) target(%arg10 : memref<2048xf32, #tpu.memory_space<vmem>>) target_semaphore(%run_scoped3A_33 : memref<!tpu.dma_semaphore, #tpu.memory_space<semaphore_mem>>)
      %dma_wait3A = arith.constant 0 : i32
      %dma_wait3A_39 = tpu.memref_slice %arg2[%run_scoped3A_2, %arg1, %dma_wait3A] : memref<3x16x2048xf32, #tpu.memory_space<hbm>> -> memref<1x1x2048xf32, #tpu.memory_space<hbm>>
      %dma_wait3A_40 = tpu.memref_squeeze %dma_wait3A_39 : memref<1x1x2048xf32, #tpu.memory_space<hbm>> -> memref<2048xf32, #tpu.memory_space<hbm>>
      %dma_wait3A_41 = arith.constant 0 : i32
      %dma_wait3A_42 = tpu.memref_slice %arg2[%run_scoped3A_2, %arg1, %dma_wait3A_41] : memref<3x16x2048xf32, #tpu.memory_space<hbm>> -> memref<1x1x2048xf32, #tpu.memory_space<hbm>>
      %dma_wait3A_43 = tpu.memref_squeeze %dma_wait3A_42 : memref<1x1x2048xf32, #tpu.memory_space<hbm>> -> memref<2048xf32, #tpu.memory_space<hbm>>
      tpu.wait_dma2 semaphore(%run_scoped3A_33 : memref<!tpu.dma_semaphore, #tpu.memory_space<semaphore_mem>>) src(%dma_wait3A_43 : memref<2048xf32, #tpu.memory_space<hbm>>) dst(%arg10 : memref<2048xf32, #tpu.memory_space<vmem>>)
      tpu.yield
    }) : () -> ()
    %run_scoped3A_3 = arith.constant 0 : i32
    "tpu.region"() ({
      %run_scoped3A_33 = tpu.sem_alloc : memref<!tpu.dma_semaphore, #tpu.memory_space<semaphore_mem>>
      %dma_start3A = arith.constant 0 : i32
      %dma_start3A_34 = tpu.memref_slice %arg11[%dma_start3A] : memref<384xf32, #tpu.memory_space<vmem>> -> memref<128xf32, #tpu.memory_space<vmem>>
      %dma_start3A_35 = tpu.memref_slice %arg3[%run_scoped3A_3, %arg1, %mul3A_0] : memref<3x16x256xf32, #tpu.memory_space<hbm>> -> memref<1x1x128xf32, #tpu.memory_space<hbm>>
      %dma_start3A_36 = tpu.memref_squeeze %dma_start3A_35 : memref<1x1x128xf32, #tpu.memory_space<hbm>> -> memref<128xf32, #tpu.memory_space<hbm>>
      %dma_start3A_37 = arith.constant 0 : i32
      %dma_start3A_38 = tpu.memref_slice %arg11[%dma_start3A_37] : memref<384xf32, #tpu.memory_space<vmem>> -> memref<128xf32, #tpu.memory_space<vmem>>
      %dma_start3A_39 = tpu.memref_slice %arg3[%run_scoped3A_3, %arg1, %mul3A_0] : memref<3x16x256xf32, #tpu.memory_space<hbm>> -> memref<1x1x128xf32, #tpu.memory_space<hbm>>
      %dma_start3A_40 = tpu.memref_squeeze %dma_start3A_39 : memref<1x1x128xf32, #tpu.memory_space<hbm>> -> memref<128xf32, #tpu.memory_space<hbm>>
      tpu.enqueue_dma source(%dma_start3A_40 : memref<128xf32, #tpu.memory_space<hbm>>) target(%dma_start3A_38 : memref<128xf32, #tpu.memory_space<vmem>>) target_semaphore(%run_scoped3A_33 : memref<!tpu.dma_semaphore, #tpu.memory_space<semaphore_mem>>)
      %dma_wait3A = arith.constant 0 : i32
      %dma_wait3A_41 = tpu.memref_slice %arg11[%dma_wait3A] : memref<384xf32, #tpu.memory_space<vmem>> -> memref<128xf32, #tpu.memory_space<vmem>>
      %dma_wait3A_42 = tpu.memref_slice %arg3[%run_scoped3A_3, %arg1, %mul3A_0] : memref<3x16x256xf32, #tpu.memory_space<hbm>> -> memref<1x1x128xf32, #tpu.memory_space<hbm>>
      %dma_wait3A_43 = tpu.memref_squeeze %dma_wait3A_42 : memref<1x1x128xf32, #tpu.memory_space<hbm>> -> memref<128xf32, #tpu.memory_space<hbm>>
      %dma_wait3A_44 = arith.constant 0 : i32
      %dma_wait3A_45 = tpu.memref_slice %arg11[%dma_wait3A_44] : memref<384xf32, #tpu.memory_space<vmem>> -> memref<128xf32, #tpu.memory_space<vmem>>
      %dma_wait3A_46 = tpu.memref_slice %arg3[%run_scoped3A_3, %arg1, %mul3A_0] : memref<3x16x256xf32, #tpu.memory_space<hbm>> -> memref<1x1x128xf32, #tpu.memory_space<hbm>>
      %dma_wait3A_47 = tpu.memref_squeeze %dma_wait3A_46 : memref<1x1x128xf32, #tpu.memory_space<hbm>> -> memref<128xf32, #tpu.memory_space<hbm>>
      tpu.wait_dma2 semaphore(%run_scoped3A_33 : memref<!tpu.dma_semaphore, #tpu.memory_space<semaphore_mem>>) src(%dma_wait3A_47 : memref<128xf32, #tpu.memory_space<hbm>>) dst(%dma_wait3A_45 : memref<128xf32, #tpu.memory_space<vmem>>)
      tpu.yield
    }) : () -> ()
    %run_scoped3A_4 = arith.constant 1 : i32
    "tpu.region"() ({
      %run_scoped3A_33 = tpu.sem_alloc : memref<!tpu.dma_semaphore, #tpu.memory_space<semaphore_mem>>
      %dma_start3A = arith.constant 128 : i32
      %dma_start3A_34 = tpu.memref_slice %arg11[%dma_start3A] : memref<384xf32, #tpu.memory_space<vmem>> -> memref<128xf32, #tpu.memory_space<vmem>>
      %dma_start3A_35 = tpu.memref_slice %arg3[%run_scoped3A_4, %arg1, %mul3A_0] : memref<3x16x256xf32, #tpu.memory_space<hbm>> -> memref<1x1x128xf32, #tpu.memory_space<hbm>>
      %dma_start3A_36 = tpu.memref_squeeze %dma_start3A_35 : memref<1x1x128xf32, #tpu.memory_space<hbm>> -> memref<128xf32, #tpu.memory_space<hbm>>
      %dma_start3A_37 = arith.constant 128 : i32
      %dma_start3A_38 = tpu.memref_slice %arg11[%dma_start3A_37] : memref<384xf32, #tpu.memory_space<vmem>> -> memref<128xf32, #tpu.memory_space<vmem>>
      %dma_start3A_39 = tpu.memref_slice %arg3[%run_scoped3A_4, %arg1, %mul3A_0] : memref<3x16x256xf32, #tpu.memory_space<hbm>> -> memref<1x1x128xf32, #tpu.memory_space<hbm>>
      %dma_start3A_40 = tpu.memref_squeeze %dma_start3A_39 : memref<1x1x128xf32, #tpu.memory_space<hbm>> -> memref<128xf32, #tpu.memory_space<hbm>>
      tpu.enqueue_dma source(%dma_start3A_40 : memref<128xf32, #tpu.memory_space<hbm>>) target(%dma_start3A_38 : memref<128xf32, #tpu.memory_space<vmem>>) target_semaphore(%run_scoped3A_33 : memref<!tpu.dma_semaphore, #tpu.memory_space<semaphore_mem>>)
      %dma_wait3A = arith.constant 128 : i32
      %dma_wait3A_41 = tpu.memref_slice %arg11[%dma_wait3A] : memref<384xf32, #tpu.memory_space<vmem>> -> memref<128xf32, #tpu.memory_space<vmem>>
      %dma_wait3A_42 = tpu.memref_slice %arg3[%run_scoped3A_4, %arg1, %mul3A_0] : memref<3x16x256xf32, #tpu.memory_space<hbm>> -> memref<1x1x128xf32, #tpu.memory_space<hbm>>
      %dma_wait3A_43 = tpu.memref_squeeze %dma_wait3A_42 : memref<1x1x128xf32, #tpu.memory_space<hbm>> -> memref<128xf32, #tpu.memory_space<hbm>>
      %dma_wait3A_44 = arith.constant 128 : i32
      %dma_wait3A_45 = tpu.memref_slice %arg11[%dma_wait3A_44] : memref<384xf32, #tpu.memory_space<vmem>> -> memref<128xf32, #tpu.memory_space<vmem>>
      %dma_wait3A_46 = tpu.memref_slice %arg3[%run_scoped3A_4, %arg1, %mul3A_0] : memref<3x16x256xf32, #tpu.memory_space<hbm>> -> memref<1x1x128xf32, #tpu.memory_space<hbm>>
      %dma_wait3A_47 = tpu.memref_squeeze %dma_wait3A_46 : memref<1x1x128xf32, #tpu.memory_space<hbm>> -> memref<128xf32, #tpu.memory_space<hbm>>
      tpu.wait_dma2 semaphore(%run_scoped3A_33 : memref<!tpu.dma_semaphore, #tpu.memory_space<semaphore_mem>>) src(%dma_wait3A_47 : memref<128xf32, #tpu.memory_space<hbm>>) dst(%dma_wait3A_45 : memref<128xf32, #tpu.memory_space<vmem>>)
      tpu.yield
    }) : () -> ()
    %run_scoped3A_5 = arith.constant 2 : i32
    "tpu.region"() ({
      %run_scoped3A_33 = tpu.sem_alloc : memref<!tpu.dma_semaphore, #tpu.memory_space<semaphore_mem>>
      %dma_start3A = arith.constant 256 : i32
      %dma_start3A_34 = tpu.memref_slice %arg11[%dma_start3A] : memref<384xf32, #tpu.memory_space<vmem>> -> memref<128xf32, #tpu.memory_space<vmem>>
      %dma_start3A_35 = tpu.memref_slice %arg3[%run_scoped3A_5, %arg1, %mul3A_0] : memref<3x16x256xf32, #tpu.memory_space<hbm>> -> memref<1x1x128xf32, #tpu.memory_space<hbm>>
      %dma_start3A_36 = tpu.memref_squeeze %dma_start3A_35 : memref<1x1x128xf32, #tpu.memory_space<hbm>> -> memref<128xf32, #tpu.memory_space<hbm>>
      %dma_start3A_37 = arith.constant 256 : i32
      %dma_start3A_38 = tpu.memref_slice %arg11[%dma_start3A_37] : memref<384xf32, #tpu.memory_space<vmem>> -> memref<128xf32, #tpu.memory_space<vmem>>
      %dma_start3A_39 = tpu.memref_slice %arg3[%run_scoped3A_5, %arg1, %mul3A_0] : memref<3x16x256xf32, #tpu.memory_space<hbm>> -> memref<1x1x128xf32, #tpu.memory_space<hbm>>
      %dma_start3A_40 = tpu.memref_squeeze %dma_start3A_39 : memref<1x1x128xf32, #tpu.memory_space<hbm>> -> memref<128xf32, #tpu.memory_space<hbm>>
      tpu.enqueue_dma source(%dma_start3A_40 : memref<128xf32, #tpu.memory_space<hbm>>) target(%dma_start3A_38 : memref<128xf32, #tpu.memory_space<vmem>>) target_semaphore(%run_scoped3A_33 : memref<!tpu.dma_semaphore, #tpu.memory_space<semaphore_mem>>)
      %dma_wait3A = arith.constant 256 : i32
      %dma_wait3A_41 = tpu.memref_slice %arg11[%dma_wait3A] : memref<384xf32, #tpu.memory_space<vmem>> -> memref<128xf32, #tpu.memory_space<vmem>>
      %dma_wait3A_42 = tpu.memref_slice %arg3[%run_scoped3A_5, %arg1, %mul3A_0] : memref<3x16x256xf32, #tpu.memory_space<hbm>> -> memref<1x1x128xf32, #tpu.memory_space<hbm>>
      %dma_wait3A_43 = tpu.memref_squeeze %dma_wait3A_42 : memref<1x1x128xf32, #tpu.memory_space<hbm>> -> memref<128xf32, #tpu.memory_space<hbm>>
      %dma_wait3A_44 = arith.constant 256 : i32
      %dma_wait3A_45 = tpu.memref_slice %arg11[%dma_wait3A_44] : memref<384xf32, #tpu.memory_space<vmem>> -> memref<128xf32, #tpu.memory_space<vmem>>
      %dma_wait3A_46 = tpu.memref_slice %arg3[%run_scoped3A_5, %arg1, %mul3A_0] : memref<3x16x256xf32, #tpu.memory_space<hbm>> -> memref<1x1x128xf32, #tpu.memory_space<hbm>>
      %dma_wait3A_47 = tpu.memref_squeeze %dma_wait3A_46 : memref<1x1x128xf32, #tpu.memory_space<hbm>> -> memref<128xf32, #tpu.memory_space<hbm>>
      tpu.wait_dma2 semaphore(%run_scoped3A_33 : memref<!tpu.dma_semaphore, #tpu.memory_space<semaphore_mem>>) src(%dma_wait3A_47 : memref<128xf32, #tpu.memory_space<hbm>>) dst(%dma_wait3A_45 : memref<128xf32, #tpu.memory_space<vmem>>)
      tpu.yield
    }) : () -> ()
    %iota3A = tpu.iota {dimensions = array<i32: 0>} : vector<16xi32>
    %broadcast_in_dim3A = arith.constant 0 : i32
    %broadcast_in_dim3A_6 = vector.broadcast %broadcast_in_dim3A : i32 to vector<16xi32>
    %scan3A = arith.constant 0 : i32
    %scan3A_7 = arith.constant 0 : i32
    %scan3A_8 = arith.constant 128 : i32
    %scan3A_9 = arith.addi %scan3A_7, %scan3A_8 : i32
    %scan3A_10 = arith.constant 1 : i32
    %scan3A_11 = scf.for %scan3A_33 = %scan3A_7 to %scan3A_9 step %scan3A_10 iter_args(%scan3A_34 = %scan3A) -> (i32)  : i32 {
      %add3A_35 = arith.addi %mul3A_0, %scan3A_33 : i32
      "tpu.region"() ({
        %run_scoped3A_408 = tpu.sem_alloc : memref<!tpu.dma_semaphore, #tpu.memory_space<semaphore_mem>>
        %dma_start3A = arith.constant 0 : i32
        %dma_start3A_409 = tpu.memref_slice %arg4[%arg1, %add3A_35, %dma_start3A] : memref<16x256x2048xi32, #tpu.memory_space<hbm>> -> memref<1x1x2048xi32, #tpu.memory_space<hbm>>
        %dma_start3A_410 = tpu.memref_squeeze %dma_start3A_409 : memref<1x1x2048xi32, #tpu.memory_space<hbm>> -> memref<2048xi32, #tpu.memory_space<hbm>>
        %dma_start3A_411 = arith.constant 0 : i32
        %dma_start3A_412 = tpu.memref_slice %arg4[%arg1, %add3A_35, %dma_start3A_411] : memref<16x256x2048xi32, #tpu.memory_space<hbm>> -> memref<1x1x2048xi32, #tpu.memory_space<hbm>>
        %dma_start3A_413 = tpu.memref_squeeze %dma_start3A_412 : memref<1x1x2048xi32, #tpu.memory_space<hbm>> -> memref<2048xi32, #tpu.memory_space<hbm>>
        tpu.enqueue_dma source(%dma_start3A_413 : memref<2048xi32, #tpu.memory_space<hbm>>) target(%arg12 : memref<2048xi32, #tpu.memory_space<vmem>>) target_semaphore(%run_scoped3A_408 : memref<!tpu.dma_semaphore, #tpu.memory_space<semaphore_mem>>)
        %dma_wait3A = arith.constant 0 : i32
        %dma_wait3A_414 = tpu.memref_slice %arg4[%arg1, %add3A_35, %dma_wait3A] : memref<16x256x2048xi32, #tpu.memory_space<hbm>> -> memref<1x1x2048xi32, #tpu.memory_space<hbm>>
        %dma_wait3A_415 = tpu.memref_squeeze %dma_wait3A_414 : memref<1x1x2048xi32, #tpu.memory_space<hbm>> -> memref<2048xi32, #tpu.memory_space<hbm>>
        %dma_wait3A_416 = arith.constant 0 : i32
        %dma_wait3A_417 = tpu.memref_slice %arg4[%arg1, %add3A_35, %dma_wait3A_416] : memref<16x256x2048xi32, #tpu.memory_space<hbm>> -> memref<1x1x2048xi32, #tpu.memory_space<hbm>>
        %dma_wait3A_418 = tpu.memref_squeeze %dma_wait3A_417 : memref<1x1x2048xi32, #tpu.memory_space<hbm>> -> memref<2048xi32, #tpu.memory_space<hbm>>
        tpu.wait_dma2 semaphore(%run_scoped3A_408 : memref<!tpu.dma_semaphore, #tpu.memory_space<semaphore_mem>>) src(%dma_wait3A_418 : memref<2048xi32, #tpu.memory_space<hbm>>) dst(%arg12 : memref<2048xi32, #tpu.memory_space<vmem>>)
        tpu.yield
      }) : () -> ()
      %broadcast_in_dim3A_36 = arith.constant 0 : i32
      %broadcast_in_dim3A_37 = vector.broadcast %broadcast_in_dim3A_36 : i32 to vector<16xi32>
      %add3A_38 = vector.broadcast %scan3A_33 : i32 to vector<16xi32>
      %add3A_39 = arith.addi %broadcast_in_dim3A_37, %add3A_38 : vector<16xi32>
      %gather3A = tpu.vector_load_idx %arg11[%add3A_39] : memref<384xf32, #tpu.memory_space<vmem>>[vector<16xi32>], vector<16xf32>,
      %add3A_40 = arith.constant 128 : i32
      %add3A_41 = vector.broadcast %add3A_40 : i32 to vector<16xi32>
      %add3A_42 = arith.addi %add3A_39, %add3A_41 : vector<16xi32>
      %gather3A_43 = tpu.vector_load_idx %arg11[%add3A_42] : memref<384xf32, #tpu.memory_space<vmem>>[vector<16xi32>], vector<16xf32>,
      %add3A_44 = arith.constant 256 : i32
      %add3A_45 = vector.broadcast %add3A_44 : i32 to vector<16xi32>
      %add3A_46 = arith.addi %add3A_39, %add3A_45 : vector<16xi32>
      %gather3A_47 = tpu.vector_load_idx %arg11[%add3A_46] : memref<384xf32, #tpu.memory_space<vmem>>[vector<16xi32>], vector<16xf32>,
      %broadcast_in_dim3A_48 = arith.constant 0 : i32
      %broadcast_in_dim3A_49 = vector.broadcast %broadcast_in_dim3A_48 : i32 to vector<16xi32>
      %add3A_50 = arith.constant 1073741824 : i32
      %add3A_51 = vector.broadcast %add3A_50 : i32 to vector<16xi32>
      %add3A_52 = arith.addi %broadcast_in_dim3A_49, %add3A_51 : vector<16xi32>
      %scan3A_53 = arith.constant 0 : i32
      %scan3A_54 = arith.constant 128 : i32
      %scan3A_55 = arith.addi %scan3A_53, %scan3A_54 : i32
      %scan3A_56 = arith.constant 1 : i32
      %scan3A_57:6 = scf.for %scan3A_408 = %scan3A_53 to %scan3A_55 step %scan3A_56 iter_args(%scan3A_409 = %broadcast_in_dim3A_6, %scan3A_410 = %broadcast_in_dim3A_6, %scan3A_411 = %broadcast_in_dim3A_6, %scan3A_412 = %add3A_52, %scan3A_413 = %add3A_52, %scan3A_414 = %add3A_52) -> (vector<16xi32>, vector<16xi32>, vector<16xi32>, vector<16xi32>, vector<16xi32>, vector<16xi32>)  : i32 {
        %mul3A_415 = arith.constant 16 : i32
        %mul3A_416 = arith.muli %scan3A_408, %mul3A_415 : i32
        %get3A_417 = arith.index_cast %mul3A_416 : i32 to index
        %get3A_418 = tpu.vector_load %arg12[%get3A_417] {strides = array<i32>} : memref<2048xi32, #tpu.memory_space<vmem>>, vector<16xi32>,
        %add3A_419 = vector.broadcast %mul3A_416 : i32 to vector<16xi32>
        %add3A_420 = arith.addi %add3A_419, %iota3A : vector<16xi32>
        %and3A = arith.constant 1 : i32
        %and3A_421 = vector.broadcast %and3A : i32 to vector<16xi32>
        %and3A_422 = arith.andi %get3A_418, %and3A_421 : vector<16xi32>
        %ne3A = arith.constant 0 : i32
        %ne3A_423 = vector.broadcast %ne3A : i32 to vector<16xi32>
        %ne3A_424 = arith.cmpi ne, %and3A_422, %ne3A_423 : vector<16xi32>
        %jit3A = arith.constant 1 : i32
        %jit3A_425 = arith.constant 0 : i32
        %broadcast_in_dim3A_426 = vector.broadcast %jit3A : i32 to vector<16xi32>
        %broadcast_in_dim3A_427 = vector.broadcast %jit3A_425 : i32 to vector<16xi32>
        %select_n3A_428 = arith.select %ne3A_424, %broadcast_in_dim3A_426, %broadcast_in_dim3A_427 : vector<16xi1>, vector<16xi32>
        %broadcast_in_dim3A_429 = arith.constant true
        %broadcast_in_dim3A_430 = vector.broadcast %broadcast_in_dim3A_429 : i1 to vector<16xi1>
        %masked_cumsum3A = tpu.scan <sum>, %select_n3A_428 masked %broadcast_in_dim3A_430 : vector<16xi32>, vector<16xi1> -> vector<16xi32>
        %add3A_431 = arith.addi %scan3A_409, %masked_cumsum3A : vector<16xi32>
        %sub3A_432 = arith.constant 1 : i32
        %sub3A_433 = vector.broadcast %sub3A_432 : i32 to vector<16xi32>
        %sub3A_434 = arith.subi %add3A_431, %sub3A_433 : vector<16xi32>
        %lt3A_435 = arith.constant 16 : i32
        %lt3A_436 = vector.broadcast %lt3A_435 : i32 to vector<16xi32>
        %lt3A_437 = arith.cmpi slt, %sub3A_434, %lt3A_436 : vector<16xi32>
        %and3A_438 = arith.andi %ne3A_424, %lt3A_437 : vector<16xi1>
        tpu.vector_store_idx %arg13[%sub3A_434], %add3A_420 masked %and3A_438 : memref<256xi32, #tpu.memory_space<vmem>>[vector<16xi32>], vector<16xi32>, vector<16xi1>
        %all_reduce_population_count3A = tpu.all_reduce %ne3A_424 {dim = 0 : i64, kind = #tpu.reduction_kind<sum>} : vector<16xi1> -> vector<16xi32>
        %add3A_439 = arith.addi %scan3A_409, %all_reduce_population_count3A : vector<16xi32>
        %jit3A_440 = arith.constant 1073741824 : i32
        %broadcast_in_dim3A_441 = vector.broadcast %jit3A_440 : i32 to vector<16xi32>
        %select_n3A_442 = arith.select %ne3A_424, %add3A_420, %broadcast_in_dim3A_441 : vector<16xi1>, vector<16xi32>
        %min3A_443 = arith.minsi %scan3A_412, %select_n3A_442 : vector<16xi32>
        %and3A_444 = arith.constant 2 : i32
        %and3A_445 = vector.broadcast %and3A_444 : i32 to vector<16xi32>
        %and3A_446 = arith.andi %get3A_418, %and3A_445 : vector<16xi32>
        %ne3A_447 = arith.constant 0 : i32
        %ne3A_448 = vector.broadcast %ne3A_447 : i32 to vector<16xi32>
        %ne3A_449 = arith.cmpi ne, %and3A_446, %ne3A_448 : vector<16xi32>
        %jit3A_450 = arith.constant 1 : i32
        %jit3A_451 = arith.constant 0 : i32
        %broadcast_in_dim3A_452 = vector.broadcast %jit3A_450 : i32 to vector<16xi32>
        %broadcast_in_dim3A_453 = vector.broadcast %jit3A_451 : i32 to vector<16xi32>
        %select_n3A_454 = arith.select %ne3A_449, %broadcast_in_dim3A_452, %broadcast_in_dim3A_453 : vector<16xi1>, vector<16xi32>
        %broadcast_in_dim3A_455 = arith.constant true
        %broadcast_in_dim3A_456 = vector.broadcast %broadcast_in_dim3A_455 : i1 to vector<16xi1>
        %masked_cumsum3A_457 = tpu.scan <sum>, %select_n3A_454 masked %broadcast_in_dim3A_456 : vector<16xi32>, vector<16xi1> -> vector<16xi32>
        %add3A_458 = arith.addi %scan3A_410, %masked_cumsum3A_457 : vector<16xi32>
        %sub3A_459 = arith.constant 1 : i32
        %sub3A_460 = vector.broadcast %sub3A_459 : i32 to vector<16xi32>
        %sub3A_461 = arith.subi %add3A_458, %sub3A_460 : vector<16xi32>
        %lt3A_462 = arith.constant 32 : i32
        %lt3A_463 = vector.broadcast %lt3A_462 : i32 to vector<16xi32>
        %lt3A_464 = arith.cmpi slt, %sub3A_461, %lt3A_463 : vector<16xi32>
        %and3A_465 = arith.andi %ne3A_449, %lt3A_464 : vector<16xi1>
        tpu.vector_store_idx %arg14[%sub3A_461], %add3A_420 masked %and3A_465 : memref<256xi32, #tpu.memory_space<vmem>>[vector<16xi32>], vector<16xi32>, vector<16xi1>
        %all_reduce_population_count3A_466 = tpu.all_reduce %ne3A_449 {dim = 0 : i64, kind = #tpu.reduction_kind<sum>} : vector<16xi1> -> vector<16xi32>
        %add3A_467 = arith.addi %scan3A_410, %all_reduce_population_count3A_466 : vector<16xi32>
        %jit3A_468 = arith.constant 1073741824 : i32
        %broadcast_in_dim3A_469 = vector.broadcast %jit3A_468 : i32 to vector<16xi32>
        %select_n3A_470 = arith.select %ne3A_449, %add3A_420, %broadcast_in_dim3A_469 : vector<16xi1>, vector<16xi32>
        %min3A_471 = arith.minsi %scan3A_413, %select_n3A_470 : vector<16xi32>
        %and3A_472 = arith.constant 4 : i32
        %and3A_473 = vector.broadcast %and3A_472 : i32 to vector<16xi32>
        %and3A_474 = arith.andi %get3A_418, %and3A_473 : vector<16xi32>
        %ne3A_475 = arith.constant 0 : i32
        %ne3A_476 = vector.broadcast %ne3A_475 : i32 to vector<16xi32>
        %ne3A_477 = arith.cmpi ne, %and3A_474, %ne3A_476 : vector<16xi32>
        %jit3A_478 = arith.constant 1 : i32
        %jit3A_479 = arith.constant 0 : i32
        %broadcast_in_dim3A_480 = vector.broadcast %jit3A_478 : i32 to vector<16xi32>
        %broadcast_in_dim3A_481 = vector.broadcast %jit3A_479 : i32 to vector<16xi32>
        %select_n3A_482 = arith.select %ne3A_477, %broadcast_in_dim3A_480, %broadcast_in_dim3A_481 : vector<16xi1>, vector<16xi32>
        %broadcast_in_dim3A_483 = arith.constant true
        %broadcast_in_dim3A_484 = vector.broadcast %broadcast_in_dim3A_483 : i1 to vector<16xi1>
        %masked_cumsum3A_485 = tpu.scan <sum>, %select_n3A_482 masked %broadcast_in_dim3A_484 : vector<16xi32>, vector<16xi1> -> vector<16xi32>
        %add3A_486 = arith.addi %scan3A_411, %masked_cumsum3A_485 : vector<16xi32>
        %sub3A_487 = arith.constant 1 : i32
        %sub3A_488 = vector.broadcast %sub3A_487 : i32 to vector<16xi32>
        %sub3A_489 = arith.subi %add3A_486, %sub3A_488 : vector<16xi32>
        %lt3A_490 = arith.constant 128 : i32
        %lt3A_491 = vector.broadcast %lt3A_490 : i32 to vector<16xi32>
        %lt3A_492 = arith.cmpi slt, %sub3A_489, %lt3A_491 : vector<16xi32>
        %and3A_493 = arith.andi %ne3A_477, %lt3A_492 : vector<16xi1>
        tpu.vector_store_idx %arg15[%sub3A_489], %add3A_420 masked %and3A_493 : memref<256xi32, #tpu.memory_space<vmem>>[vector<16xi32>], vector<16xi32>, vector<16xi1>
        %all_reduce_population_count3A_494 = tpu.all_reduce %ne3A_477 {dim = 0 : i64, kind = #tpu.reduction_kind<sum>} : vector<16xi1> -> vector<16xi32>
        %add3A_495 = arith.addi %scan3A_411, %all_reduce_population_count3A_494 : vector<16xi32>
        %jit3A_496 = arith.constant 1073741824 : i32
        %broadcast_in_dim3A_497 = vector.broadcast %jit3A_496 : i32 to vector<16xi32>
        %select_n3A_498 = arith.select %ne3A_477, %add3A_420, %broadcast_in_dim3A_497 : vector<16xi1>, vector<16xi32>
        %min3A_499 = arith.minsi %scan3A_414, %select_n3A_498 : vector<16xi32>
        scf.yield %add3A_439, %add3A_467, %add3A_495, %min3A_443, %min3A_471, %min3A_499 : vector<16xi32>, vector<16xi32>, vector<16xi32>, vector<16xi32>, vector<16xi32>, vector<16xi32>
      }
      %scan3A_58 = arith.constant 128 : i32
      %reduce_min3A = arith.constant true
      %reduce_min3A_59 = vector.broadcast %reduce_min3A : i1 to vector<16xi1>
      %reduce_min3A_60 = arith.constant -2147483648 : i32
      %reduce_min3A_61 = vector.broadcast %reduce_min3A_60 : i32 to vector<16xi32>
      %reduce_min3A_62 = arith.xori %scan3A_57#3, %reduce_min3A_61 : vector<16xi32>
      %reduce_min3A_63 = tpu.scan <min>, %reduce_min3A_62 masked %reduce_min3A_59 : vector<16xi32>, vector<16xi1> -> vector<16xi32>
      %reduce_min3A_64 = arith.xori %reduce_min3A_63, %reduce_min3A_61 : vector<16xi32>
      %reduce_min3A_65 = vector.extract %reduce_min3A_64[15] : i32 from vector<16xi32>
      %broadcast_in_dim3A_66 = arith.constant 0 : i32
      %broadcast_in_dim3A_67 = vector.broadcast %broadcast_in_dim3A_66 : i32 to vector<16xi32>
      %add3A_68 = vector.broadcast %reduce_min3A_65 : i32 to vector<16xi32>
      %add3A_69 = arith.addi %broadcast_in_dim3A_67, %add3A_68 : vector<16xi32>
      %min3A = arith.constant 2047 : i32
      %min3A_70 = vector.broadcast %min3A : i32 to vector<16xi32>
      %min3A_71 = arith.minsi %add3A_69, %min3A_70 : vector<16xi32>
      %mul3A_72 = arith.constant 16 : i32
      %mul3A_73 = arith.muli %scan3A_33, %mul3A_72 : i32
      %mul3A_74 = arith.constant 3 : i32
      %mul3A_75 = arith.muli %mul3A_73, %mul3A_74 : i32
      %add3A_76 = arith.constant 0 : i32
      %add3A_77 = vector.broadcast %add3A_76 : i32 to vector<16xi32>
      %add3A_78 = arith.addi %add3A_77, %iota3A : vector<16xi32>
      %get3A = arith.constant 0 : index
      %get3A_79 = tpu.vector_load %arg13[%get3A] {strides = array<i32>} : memref<256xi32, #tpu.memory_space<vmem>>, vector<16xi32>,
      %lt3A = arith.cmpi slt, %add3A_78, %scan3A_57#0 : vector<16xi32>
      %select_n3A = arith.select %lt3A, %get3A_79, %min3A_71 : vector<16xi1>, vector<16xi32>
      %gather3A_80 = tpu.vector_load_idx %arg8[%select_n3A] : memref<2048xf32, #tpu.memory_space<vmem>>[vector<16xi32>], vector<16xf32>,
      %sub3A = arith.subf %gather3A_80, %gather3A : vector<16xf32>
      %gather3A_81 = tpu.vector_load_idx %arg9[%select_n3A] : memref<2048xf32, #tpu.memory_space<vmem>>[vector<16xi32>], vector<16xf32>,
      %sub3A_82 = arith.subf %gather3A_81, %gather3A_43 : vector<16xf32>
      %gather3A_83 = tpu.vector_load_idx %arg10[%select_n3A] : memref<2048xf32, #tpu.memory_space<vmem>>[vector<16xi32>], vector<16xf32>,
      %sub3A_84 = arith.subf %gather3A_83, %gather3A_47 : vector<16xf32>
      %add3A_85 = arith.constant 0 : i32
      %add3A_86 = vector.broadcast %add3A_85 : i32 to vector<16xi32>
      %add3A_87 = arith.addi %add3A_86, %iota3A : vector<16xi32>
      %mul3A_88 = arith.constant 3 : i32
      %mul3A_89 = vector.broadcast %mul3A_88 : i32 to vector<16xi32>
      %mul3A_90 = arith.muli %add3A_87, %mul3A_89 : vector<16xi32>
      %add3A_91 = vector.broadcast %mul3A_75 : i32 to vector<16xi32>
      %add3A_92 = arith.addi %add3A_91, %mul3A_90 : vector<16xi32>
      tpu.vector_store_idx %arg16[%add3A_92], %sub3A : memref<6144xf32, #tpu.memory_space<vmem>>[vector<16xi32>], vector<16xf32>,
      %add3A_93 = arith.constant 1 : i32
      %add3A_94 = vector.broadcast %add3A_93 : i32 to vector<16xi32>
      %add3A_95 = arith.addi %add3A_92, %add3A_94 : vector<16xi32>
      tpu.vector_store_idx %arg16[%add3A_95], %sub3A_82 : memref<6144xf32, #tpu.memory_space<vmem>>[vector<16xi32>], vector<16xf32>,
      %add3A_96 = arith.constant 2 : i32
      %add3A_97 = vector.broadcast %add3A_96 : i32 to vector<16xi32>
      %add3A_98 = arith.addi %add3A_92, %add3A_97 : vector<16xi32>
      tpu.vector_store_idx %arg16[%add3A_98], %sub3A_84 : memref<6144xf32, #tpu.memory_space<vmem>>[vector<16xi32>], vector<16xf32>,
      %reduce_min3A_99 = arith.constant true
      %reduce_min3A_100 = vector.broadcast %reduce_min3A_99 : i1 to vector<16xi1>
      %reduce_min3A_101 = arith.constant -2147483648 : i32
      %reduce_min3A_102 = vector.broadcast %reduce_min3A_101 : i32 to vector<16xi32>
      %reduce_min3A_103 = arith.xori %scan3A_57#4, %reduce_min3A_102 : vector<16xi32>
      %reduce_min3A_104 = tpu.scan <min>, %reduce_min3A_103 masked %reduce_min3A_100 : vector<16xi32>, vector<16xi1> -> vector<16xi32>
      %reduce_min3A_105 = arith.xori %reduce_min3A_104, %reduce_min3A_102 : vector<16xi32>
      %reduce_min3A_106 = vector.extract %reduce_min3A_105[15] : i32 from vector<16xi32>
      %broadcast_in_dim3A_107 = arith.constant 0 : i32
      %broadcast_in_dim3A_108 = vector.broadcast %broadcast_in_dim3A_107 : i32 to vector<16xi32>
      %add3A_109 = vector.broadcast %reduce_min3A_106 : i32 to vector<16xi32>
      %add3A_110 = arith.addi %broadcast_in_dim3A_108, %add3A_109 : vector<16xi32>
      %min3A_111 = arith.constant 2047 : i32
      %min3A_112 = vector.broadcast %min3A_111 : i32 to vector<16xi32>
      %min3A_113 = arith.minsi %add3A_110, %min3A_112 : vector<16xi32>
      %mul3A_114 = arith.constant 32 : i32
      %mul3A_115 = arith.muli %scan3A_33, %mul3A_114 : i32
      %mul3A_116 = arith.constant 3 : i32
      %mul3A_117 = arith.muli %mul3A_115, %mul3A_116 : i32
      %add3A_118 = arith.constant 0 : i32
      %add3A_119 = vector.broadcast %add3A_118 : i32 to vector<16xi32>
      %add3A_120 = arith.addi %add3A_119, %iota3A : vector<16xi32>
      %get3A_121 = arith.constant 0 : index
      %get3A_122 = tpu.vector_load %arg14[%get3A_121] {strides = array<i32>} : memref<256xi32, #tpu.memory_space<vmem>>, vector<16xi32>,
      %lt3A_123 = arith.cmpi slt, %add3A_120, %scan3A_57#1 : vector<16xi32>
      %select_n3A_124 = arith.select %lt3A_123, %get3A_122, %min3A_113 : vector<16xi1>, vector<16xi32>
      %gather3A_125 = tpu.vector_load_idx %arg8[%select_n3A_124] : memref<2048xf32, #tpu.memory_space<vmem>>[vector<16xi32>], vector<16xf32>,
      %sub3A_126 = arith.subf %gather3A_125, %gather3A : vector<16xf32>
      %gather3A_127 = tpu.vector_load_idx %arg9[%select_n3A_124] : memref<2048xf32, #tpu.memory_space<vmem>>[vector<16xi32>], vector<16xf32>,
      %sub3A_128 = arith.subf %gather3A_127, %gather3A_43 : vector<16xf32>
      %gather3A_129 = tpu.vector_load_idx %arg10[%select_n3A_124] : memref<2048xf32, #tpu.memory_space<vmem>>[vector<16xi32>], vector<16xf32>,
      %sub3A_130 = arith.subf %gather3A_129, %gather3A_47 : vector<16xf32>
      %add3A_131 = arith.constant 0 : i32
      %add3A_132 = vector.broadcast %add3A_131 : i32 to vector<16xi32>
      %add3A_133 = arith.addi %add3A_132, %iota3A : vector<16xi32>
      %mul3A_134 = arith.constant 3 : i32
      %mul3A_135 = vector.broadcast %mul3A_134 : i32 to vector<16xi32>
      %mul3A_136 = arith.muli %add3A_133, %mul3A_135 : vector<16xi32>
      %add3A_137 = vector.broadcast %mul3A_117 : i32 to vector<16xi32>
      %add3A_138 = arith.addi %add3A_137, %mul3A_136 : vector<16xi32>
      tpu.vector_store_idx %arg17[%add3A_138], %sub3A_126 : memref<12288xf32, #tpu.memory_space<vmem>>[vector<16xi32>], vector<16xf32>,
      %add3A_139 = arith.constant 1 : i32
      %add3A_140 = vector.broadcast %add3A_139 : i32 to vector<16xi32>
      %add3A_141 = arith.addi %add3A_138, %add3A_140 : vector<16xi32>
      tpu.vector_store_idx %arg17[%add3A_141], %sub3A_128 : memref<12288xf32, #tpu.memory_space<vmem>>[vector<16xi32>], vector<16xf32>,
      %add3A_142 = arith.constant 2 : i32
      %add3A_143 = vector.broadcast %add3A_142 : i32 to vector<16xi32>
      %add3A_144 = arith.addi %add3A_138, %add3A_143 : vector<16xi32>
      tpu.vector_store_idx %arg17[%add3A_144], %sub3A_130 : memref<12288xf32, #tpu.memory_space<vmem>>[vector<16xi32>], vector<16xf32>,
      %add3A_145 = arith.constant 16 : i32
      %add3A_146 = vector.broadcast %add3A_145 : i32 to vector<16xi32>
      %add3A_147 = arith.addi %add3A_146, %iota3A : vector<16xi32>
      %get3A_148 = arith.constant 16 : index
      %get3A_149 = tpu.vector_load %arg14[%get3A_148] {strides = array<i32>} : memref<256xi32, #tpu.memory_space<vmem>>, vector<16xi32>,
      %lt3A_150 = arith.cmpi slt, %add3A_147, %scan3A_57#1 : vector<16xi32>
      %select_n3A_151 = arith.select %lt3A_150, %get3A_149, %min3A_113 : vector<16xi1>, vector<16xi32>
      %gather3A_152 = tpu.vector_load_idx %arg8[%select_n3A_151] : memref<2048xf32, #tpu.memory_space<vmem>>[vector<16xi32>], vector<16xf32>,
      %sub3A_153 = arith.subf %gather3A_152, %gather3A : vector<16xf32>
      %gather3A_154 = tpu.vector_load_idx %arg9[%select_n3A_151] : memref<2048xf32, #tpu.memory_space<vmem>>[vector<16xi32>], vector<16xf32>,
      %sub3A_155 = arith.subf %gather3A_154, %gather3A_43 : vector<16xf32>
      %gather3A_156 = tpu.vector_load_idx %arg10[%select_n3A_151] : memref<2048xf32, #tpu.memory_space<vmem>>[vector<16xi32>], vector<16xf32>,
      %sub3A_157 = arith.subf %gather3A_156, %gather3A_47 : vector<16xf32>
      %add3A_158 = arith.constant 16 : i32
      %add3A_159 = vector.broadcast %add3A_158 : i32 to vector<16xi32>
      %add3A_160 = arith.addi %add3A_159, %iota3A : vector<16xi32>
      %mul3A_161 = arith.constant 3 : i32
      %mul3A_162 = vector.broadcast %mul3A_161 : i32 to vector<16xi32>
      %mul3A_163 = arith.muli %add3A_160, %mul3A_162 : vector<16xi32>
      %add3A_164 = vector.broadcast %mul3A_117 : i32 to vector<16xi32>
      %add3A_165 = arith.addi %add3A_164, %mul3A_163 : vector<16xi32>
      tpu.vector_store_idx %arg17[%add3A_165], %sub3A_153 : memref<12288xf32, #tpu.memory_space<vmem>>[vector<16xi32>], vector<16xf32>,
      %add3A_166 = arith.constant 1 : i32
      %add3A_167 = vector.broadcast %add3A_166 : i32 to vector<16xi32>
      %add3A_168 = arith.addi %add3A_165, %add3A_167 : vector<16xi32>
      tpu.vector_store_idx %arg17[%add3A_168], %sub3A_155 : memref<12288xf32, #tpu.memory_space<vmem>>[vector<16xi32>], vector<16xf32>,
      %add3A_169 = arith.constant 2 : i32
      %add3A_170 = vector.broadcast %add3A_169 : i32 to vector<16xi32>
      %add3A_171 = arith.addi %add3A_165, %add3A_170 : vector<16xi32>
      tpu.vector_store_idx %arg17[%add3A_171], %sub3A_157 : memref<12288xf32, #tpu.memory_space<vmem>>[vector<16xi32>], vector<16xf32>,
      %reduce_min3A_172 = arith.constant true
      %reduce_min3A_173 = vector.broadcast %reduce_min3A_172 : i1 to vector<16xi1>
      %reduce_min3A_174 = arith.constant -2147483648 : i32
      %reduce_min3A_175 = vector.broadcast %reduce_min3A_174 : i32 to vector<16xi32>
      %reduce_min3A_176 = arith.xori %scan3A_57#5, %reduce_min3A_175 : vector<16xi32>
      %reduce_min3A_177 = tpu.scan <min>, %reduce_min3A_176 masked %reduce_min3A_173 : vector<16xi32>, vector<16xi1> -> vector<16xi32>
      %reduce_min3A_178 = arith.xori %reduce_min3A_177, %reduce_min3A_175 : vector<16xi32>
      %reduce_min3A_179 = vector.extract %reduce_min3A_178[15] : i32 from vector<16xi32>
      %broadcast_in_dim3A_180 = arith.constant 0 : i32
      %broadcast_in_dim3A_181 = vector.broadcast %broadcast_in_dim3A_180 : i32 to vector<16xi32>
      %add3A_182 = vector.broadcast %reduce_min3A_179 : i32 to vector<16xi32>
      %add3A_183 = arith.addi %broadcast_in_dim3A_181, %add3A_182 : vector<16xi32>
      %min3A_184 = arith.constant 2047 : i32
      %min3A_185 = vector.broadcast %min3A_184 : i32 to vector<16xi32>
      %min3A_186 = arith.minsi %add3A_183, %min3A_185 : vector<16xi32>
      %mul3A_187 = arith.constant 128 : i32
      %mul3A_188 = arith.muli %scan3A_33, %mul3A_187 : i32
      %mul3A_189 = arith.constant 3 : i32
      %mul3A_190 = arith.muli %mul3A_188, %mul3A_189 : i32
      %add3A_191 = arith.constant 0 : i32
      %add3A_192 = vector.broadcast %add3A_191 : i32 to vector<16xi32>
      %add3A_193 = arith.addi %add3A_192, %iota3A : vector<16xi32>
      %get3A_194 = arith.constant 0 : index
      %get3A_195 = tpu.vector_load %arg15[%get3A_194] {strides = array<i32>} : memref<256xi32, #tpu.memory_space<vmem>>, vector<16xi32>,
      %lt3A_196 = arith.cmpi slt, %add3A_193, %scan3A_57#2 : vector<16xi32>
      %select_n3A_197 = arith.select %lt3A_196, %get3A_195, %min3A_186 : vector<16xi1>, vector<16xi32>
      %gather3A_198 = tpu.vector_load_idx %arg8[%select_n3A_197] : memref<2048xf32, #tpu.memory_space<vmem>>[vector<16xi32>], vector<16xf32>,
      %sub3A_199 = arith.subf %gather3A_198, %gather3A : vector<16xf32>
      %gather3A_200 = tpu.vector_load_idx %arg9[%select_n3A_197] : memref<2048xf32, #tpu.memory_space<vmem>>[vector<16xi32>], vector<16xf32>,
      %sub3A_201 = arith.subf %gather3A_200, %gather3A_43 : vector<16xf32>
      %gather3A_202 = tpu.vector_load_idx %arg10[%select_n3A_197] : memref<2048xf32, #tpu.memory_space<vmem>>[vector<16xi32>], vector<16xf32>,
      %sub3A_203 = arith.subf %gather3A_202, %gather3A_47 : vector<16xf32>
      %add3A_204 = arith.constant 0 : i32
      %add3A_205 = vector.broadcast %add3A_204 : i32 to vector<16xi32>
      %add3A_206 = arith.addi %add3A_205, %iota3A : vector<16xi32>
      %mul3A_207 = arith.constant 3 : i32
      %mul3A_208 = vector.broadcast %mul3A_207 : i32 to vector<16xi32>
      %mul3A_209 = arith.muli %add3A_206, %mul3A_208 : vector<16xi32>
      %add3A_210 = vector.broadcast %mul3A_190 : i32 to vector<16xi32>
      %add3A_211 = arith.addi %add3A_210, %mul3A_209 : vector<16xi32>
      tpu.vector_store_idx %arg18[%add3A_211], %sub3A_199 : memref<49152xf32, #tpu.memory_space<vmem>>[vector<16xi32>], vector<16xf32>,
      %add3A_212 = arith.constant 1 : i32
      %add3A_213 = vector.broadcast %add3A_212 : i32 to vector<16xi32>
      %add3A_214 = arith.addi %add3A_211, %add3A_213 : vector<16xi32>
      tpu.vector_store_idx %arg18[%add3A_214], %sub3A_201 : memref<49152xf32, #tpu.memory_space<vmem>>[vector<16xi32>], vector<16xf32>,
      %add3A_215 = arith.constant 2 : i32
      %add3A_216 = vector.broadcast %add3A_215 : i32 to vector<16xi32>
      %add3A_217 = arith.addi %add3A_211, %add3A_216 : vector<16xi32>
      tpu.vector_store_idx %arg18[%add3A_217], %sub3A_203 : memref<49152xf32, #tpu.memory_space<vmem>>[vector<16xi32>], vector<16xf32>,
      %add3A_218 = arith.constant 16 : i32
      %add3A_219 = vector.broadcast %add3A_218 : i32 to vector<16xi32>
      %add3A_220 = arith.addi %add3A_219, %iota3A : vector<16xi32>
      %get3A_221 = arith.constant 16 : index
      %get3A_222 = tpu.vector_load %arg15[%get3A_221] {strides = array<i32>} : memref<256xi32, #tpu.memory_space<vmem>>, vector<16xi32>,
      %lt3A_223 = arith.cmpi slt, %add3A_220, %scan3A_57#2 : vector<16xi32>
      %select_n3A_224 = arith.select %lt3A_223, %get3A_222, %min3A_186 : vector<16xi1>, vector<16xi32>
      %gather3A_225 = tpu.vector_load_idx %arg8[%select_n3A_224] : memref<2048xf32, #tpu.memory_space<vmem>>[vector<16xi32>], vector<16xf32>,
      %sub3A_226 = arith.subf %gather3A_225, %gather3A : vector<16xf32>
      %gather3A_227 = tpu.vector_load_idx %arg9[%select_n3A_224] : memref<2048xf32, #tpu.memory_space<vmem>>[vector<16xi32>], vector<16xf32>,
      %sub3A_228 = arith.subf %gather3A_227, %gather3A_43 : vector<16xf32>
      %gather3A_229 = tpu.vector_load_idx %arg10[%select_n3A_224] : memref<2048xf32, #tpu.memory_space<vmem>>[vector<16xi32>], vector<16xf32>,
      %sub3A_230 = arith.subf %gather3A_229, %gather3A_47 : vector<16xf32>
      %add3A_231 = arith.constant 16 : i32
      %add3A_232 = vector.broadcast %add3A_231 : i32 to vector<16xi32>
      %add3A_233 = arith.addi %add3A_232, %iota3A : vector<16xi32>
      %mul3A_234 = arith.constant 3 : i32
      %mul3A_235 = vector.broadcast %mul3A_234 : i32 to vector<16xi32>
      %mul3A_236 = arith.muli %add3A_233, %mul3A_235 : vector<16xi32>
      %add3A_237 = vector.broadcast %mul3A_190 : i32 to vector<16xi32>
      %add3A_238 = arith.addi %add3A_237, %mul3A_236 : vector<16xi32>
      tpu.vector_store_idx %arg18[%add3A_238], %sub3A_226 : memref<49152xf32, #tpu.memory_space<vmem>>[vector<16xi32>], vector<16xf32>,
      %add3A_239 = arith.constant 1 : i32
      %add3A_240 = vector.broadcast %add3A_239 : i32 to vector<16xi32>
      %add3A_241 = arith.addi %add3A_238, %add3A_240 : vector<16xi32>
      tpu.vector_store_idx %arg18[%add3A_241], %sub3A_228 : memref<49152xf32, #tpu.memory_space<vmem>>[vector<16xi32>], vector<16xf32>,
      %add3A_242 = arith.constant 2 : i32
      %add3A_243 = vector.broadcast %add3A_242 : i32 to vector<16xi32>
      %add3A_244 = arith.addi %add3A_238, %add3A_243 : vector<16xi32>
      tpu.vector_store_idx %arg18[%add3A_244], %sub3A_230 : memref<49152xf32, #tpu.memory_space<vmem>>[vector<16xi32>], vector<16xf32>,
      %add3A_245 = arith.constant 32 : i32
      %add3A_246 = vector.broadcast %add3A_245 : i32 to vector<16xi32>
      %add3A_247 = arith.addi %add3A_246, %iota3A : vector<16xi32>
      %get3A_248 = arith.constant 32 : index
      %get3A_249 = tpu.vector_load %arg15[%get3A_248] {strides = array<i32>} : memref<256xi32, #tpu.memory_space<vmem>>, vector<16xi32>,
      %lt3A_250 = arith.cmpi slt, %add3A_247, %scan3A_57#2 : vector<16xi32>
      %select_n3A_251 = arith.select %lt3A_250, %get3A_249, %min3A_186 : vector<16xi1>, vector<16xi32>
      %gather3A_252 = tpu.vector_load_idx %arg8[%select_n3A_251] : memref<2048xf32, #tpu.memory_space<vmem>>[vector<16xi32>], vector<16xf32>,
      %sub3A_253 = arith.subf %gather3A_252, %gather3A : vector<16xf32>
      %gather3A_254 = tpu.vector_load_idx %arg9[%select_n3A_251] : memref<2048xf32, #tpu.memory_space<vmem>>[vector<16xi32>], vector<16xf32>,
      %sub3A_255 = arith.subf %gather3A_254, %gather3A_43 : vector<16xf32>
      %gather3A_256 = tpu.vector_load_idx %arg10[%select_n3A_251] : memref<2048xf32, #tpu.memory_space<vmem>>[vector<16xi32>], vector<16xf32>,
      %sub3A_257 = arith.subf %gather3A_256, %gather3A_47 : vector<16xf32>
      %add3A_258 = arith.constant 32 : i32
      %add3A_259 = vector.broadcast %add3A_258 : i32 to vector<16xi32>
      %add3A_260 = arith.addi %add3A_259, %iota3A : vector<16xi32>
      %mul3A_261 = arith.constant 3 : i32
      %mul3A_262 = vector.broadcast %mul3A_261 : i32 to vector<16xi32>
      %mul3A_263 = arith.muli %add3A_260, %mul3A_262 : vector<16xi32>
      %add3A_264 = vector.broadcast %mul3A_190 : i32 to vector<16xi32>
      %add3A_265 = arith.addi %add3A_264, %mul3A_263 : vector<16xi32>
      tpu.vector_store_idx %arg18[%add3A_265], %sub3A_253 : memref<49152xf32, #tpu.memory_space<vmem>>[vector<16xi32>], vector<16xf32>,
      %add3A_266 = arith.constant 1 : i32
      %add3A_267 = vector.broadcast %add3A_266 : i32 to vector<16xi32>
      %add3A_268 = arith.addi %add3A_265, %add3A_267 : vector<16xi32>
      tpu.vector_store_idx %arg18[%add3A_268], %sub3A_255 : memref<49152xf32, #tpu.memory_space<vmem>>[vector<16xi32>], vector<16xf32>,
      %add3A_269 = arith.constant 2 : i32
      %add3A_270 = vector.broadcast %add3A_269 : i32 to vector<16xi32>
      %add3A_271 = arith.addi %add3A_265, %add3A_270 : vector<16xi32>
      tpu.vector_store_idx %arg18[%add3A_271], %sub3A_257 : memref<49152xf32, #tpu.memory_space<vmem>>[vector<16xi32>], vector<16xf32>,
      %add3A_272 = arith.constant 48 : i32
      %add3A_273 = vector.broadcast %add3A_272 : i32 to vector<16xi32>
      %add3A_274 = arith.addi %add3A_273, %iota3A : vector<16xi32>
      %get3A_275 = arith.constant 48 : index
      %get3A_276 = tpu.vector_load %arg15[%get3A_275] {strides = array<i32>} : memref<256xi32, #tpu.memory_space<vmem>>, vector<16xi32>,
      %lt3A_277 = arith.cmpi slt, %add3A_274, %scan3A_57#2 : vector<16xi32>
      %select_n3A_278 = arith.select %lt3A_277, %get3A_276, %min3A_186 : vector<16xi1>, vector<16xi32>
      %gather3A_279 = tpu.vector_load_idx %arg8[%select_n3A_278] : memref<2048xf32, #tpu.memory_space<vmem>>[vector<16xi32>], vector<16xf32>,
      %sub3A_280 = arith.subf %gather3A_279, %gather3A : vector<16xf32>
      %gather3A_281 = tpu.vector_load_idx %arg9[%select_n3A_278] : memref<2048xf32, #tpu.memory_space<vmem>>[vector<16xi32>], vector<16xf32>,
      %sub3A_282 = arith.subf %gather3A_281, %gather3A_43 : vector<16xf32>
      %gather3A_283 = tpu.vector_load_idx %arg10[%select_n3A_278] : memref<2048xf32, #tpu.memory_space<vmem>>[vector<16xi32>], vector<16xf32>,
      %sub3A_284 = arith.subf %gather3A_283, %gather3A_47 : vector<16xf32>
      %add3A_285 = arith.constant 48 : i32
      %add3A_286 = vector.broadcast %add3A_285 : i32 to vector<16xi32>
      %add3A_287 = arith.addi %add3A_286, %iota3A : vector<16xi32>
      %mul3A_288 = arith.constant 3 : i32
      %mul3A_289 = vector.broadcast %mul3A_288 : i32 to vector<16xi32>
      %mul3A_290 = arith.muli %add3A_287, %mul3A_289 : vector<16xi32>
      %add3A_291 = vector.broadcast %mul3A_190 : i32 to vector<16xi32>
      %add3A_292 = arith.addi %add3A_291, %mul3A_290 : vector<16xi32>
      tpu.vector_store_idx %arg18[%add3A_292], %sub3A_280 : memref<49152xf32, #tpu.memory_space<vmem>>[vector<16xi32>], vector<16xf32>,
      %add3A_293 = arith.constant 1 : i32
      %add3A_294 = vector.broadcast %add3A_293 : i32 to vector<16xi32>
      %add3A_295 = arith.addi %add3A_292, %add3A_294 : vector<16xi32>
      tpu.vector_store_idx %arg18[%add3A_295], %sub3A_282 : memref<49152xf32, #tpu.memory_space<vmem>>[vector<16xi32>], vector<16xf32>,
      %add3A_296 = arith.constant 2 : i32
      %add3A_297 = vector.broadcast %add3A_296 : i32 to vector<16xi32>
      %add3A_298 = arith.addi %add3A_292, %add3A_297 : vector<16xi32>
      tpu.vector_store_idx %arg18[%add3A_298], %sub3A_284 : memref<49152xf32, #tpu.memory_space<vmem>>[vector<16xi32>], vector<16xf32>,
      %add3A_299 = arith.constant 64 : i32
      %add3A_300 = vector.broadcast %add3A_299 : i32 to vector<16xi32>
      %add3A_301 = arith.addi %add3A_300, %iota3A : vector<16xi32>
      %get3A_302 = arith.constant 64 : index
      %get3A_303 = tpu.vector_load %arg15[%get3A_302] {strides = array<i32>} : memref<256xi32, #tpu.memory_space<vmem>>, vector<16xi32>,
      %lt3A_304 = arith.cmpi slt, %add3A_301, %scan3A_57#2 : vector<16xi32>
      %select_n3A_305 = arith.select %lt3A_304, %get3A_303, %min3A_186 : vector<16xi1>, vector<16xi32>
      %gather3A_306 = tpu.vector_load_idx %arg8[%select_n3A_305] : memref<2048xf32, #tpu.memory_space<vmem>>[vector<16xi32>], vector<16xf32>,
      %sub3A_307 = arith.subf %gather3A_306, %gather3A : vector<16xf32>
      %gather3A_308 = tpu.vector_load_idx %arg9[%select_n3A_305] : memref<2048xf32, #tpu.memory_space<vmem>>[vector<16xi32>], vector<16xf32>,
      %sub3A_309 = arith.subf %gather3A_308, %gather3A_43 : vector<16xf32>
      %gather3A_310 = tpu.vector_load_idx %arg10[%select_n3A_305] : memref<2048xf32, #tpu.memory_space<vmem>>[vector<16xi32>], vector<16xf32>,
      %sub3A_311 = arith.subf %gather3A_310, %gather3A_47 : vector<16xf32>
      %add3A_312 = arith.constant 64 : i32
      %add3A_313 = vector.broadcast %add3A_312 : i32 to vector<16xi32>
      %add3A_314 = arith.addi %add3A_313, %iota3A : vector<16xi32>
      %mul3A_315 = arith.constant 3 : i32
      %mul3A_316 = vector.broadcast %mul3A_315 : i32 to vector<16xi32>
      %mul3A_317 = arith.muli %add3A_314, %mul3A_316 : vector<16xi32>
      %add3A_318 = vector.broadcast %mul3A_190 : i32 to vector<16xi32>
      %add3A_319 = arith.addi %add3A_318, %mul3A_317 : vector<16xi32>
      tpu.vector_store_idx %arg18[%add3A_319], %sub3A_307 : memref<49152xf32, #tpu.memory_space<vmem>>[vector<16xi32>], vector<16xf32>,
      %add3A_320 = arith.constant 1 : i32
      %add3A_321 = vector.broadcast %add3A_320 : i32 to vector<16xi32>
      %add3A_322 = arith.addi %add3A_319, %add3A_321 : vector<16xi32>
      tpu.vector_store_idx %arg18[%add3A_322], %sub3A_309 : memref<49152xf32, #tpu.memory_space<vmem>>[vector<16xi32>], vector<16xf32>,
      %add3A_323 = arith.constant 2 : i32
      %add3A_324 = vector.broadcast %add3A_323 : i32 to vector<16xi32>
      %add3A_325 = arith.addi %add3A_319, %add3A_324 : vector<16xi32>
      tpu.vector_store_idx %arg18[%add3A_325], %sub3A_311 : memref<49152xf32, #tpu.memory_space<vmem>>[vector<16xi32>], vector<16xf32>,
      %add3A_326 = arith.constant 80 : i32
      %add3A_327 = vector.broadcast %add3A_326 : i32 to vector<16xi32>
      %add3A_328 = arith.addi %add3A_327, %iota3A : vector<16xi32>
      %get3A_329 = arith.constant 80 : index
      %get3A_330 = tpu.vector_load %arg15[%get3A_329] {strides = array<i32>} : memref<256xi32, #tpu.memory_space<vmem>>, vector<16xi32>,
      %lt3A_331 = arith.cmpi slt, %add3A_328, %scan3A_57#2 : vector<16xi32>
      %select_n3A_332 = arith.select %lt3A_331, %get3A_330, %min3A_186 : vector<16xi1>, vector<16xi32>
      %gather3A_333 = tpu.vector_load_idx %arg8[%select_n3A_332] : memref<2048xf32, #tpu.memory_space<vmem>>[vector<16xi32>], vector<16xf32>,
      %sub3A_334 = arith.subf %gather3A_333, %gather3A : vector<16xf32>
      %gather3A_335 = tpu.vector_load_idx %arg9[%select_n3A_332] : memref<2048xf32, #tpu.memory_space<vmem>>[vector<16xi32>], vector<16xf32>,
      %sub3A_336 = arith.subf %gather3A_335, %gather3A_43 : vector<16xf32>
      %gather3A_337 = tpu.vector_load_idx %arg10[%select_n3A_332] : memref<2048xf32, #tpu.memory_space<vmem>>[vector<16xi32>], vector<16xf32>,
      %sub3A_338 = arith.subf %gather3A_337, %gather3A_47 : vector<16xf32>
      %add3A_339 = arith.constant 80 : i32
      %add3A_340 = vector.broadcast %add3A_339 : i32 to vector<16xi32>
      %add3A_341 = arith.addi %add3A_340, %iota3A : vector<16xi32>
      %mul3A_342 = arith.constant 3 : i32
      %mul3A_343 = vector.broadcast %mul3A_342 : i32 to vector<16xi32>
      %mul3A_344 = arith.muli %add3A_341, %mul3A_343 : vector<16xi32>
      %add3A_345 = vector.broadcast %mul3A_190 : i32 to vector<16xi32>
      %add3A_346 = arith.addi %add3A_345, %mul3A_344 : vector<16xi32>
      tpu.vector_store_idx %arg18[%add3A_346], %sub3A_334 : memref<49152xf32, #tpu.memory_space<vmem>>[vector<16xi32>], vector<16xf32>,
      %add3A_347 = arith.constant 1 : i32
      %add3A_348 = vector.broadcast %add3A_347 : i32 to vector<16xi32>
      %add3A_349 = arith.addi %add3A_346, %add3A_348 : vector<16xi32>
      tpu.vector_store_idx %arg18[%add3A_349], %sub3A_336 : memref<49152xf32, #tpu.memory_space<vmem>>[vector<16xi32>], vector<16xf32>,
      %add3A_350 = arith.constant 2 : i32
      %add3A_351 = vector.broadcast %add3A_350 : i32 to vector<16xi32>
      %add3A_352 = arith.addi %add3A_346, %add3A_351 : vector<16xi32>
      tpu.vector_store_idx %arg18[%add3A_352], %sub3A_338 : memref<49152xf32, #tpu.memory_space<vmem>>[vector<16xi32>], vector<16xf32>,
      %add3A_353 = arith.constant 96 : i32
      %add3A_354 = vector.broadcast %add3A_353 : i32 to vector<16xi32>
      %add3A_355 = arith.addi %add3A_354, %iota3A : vector<16xi32>
      %get3A_356 = arith.constant 96 : index
      %get3A_357 = tpu.vector_load %arg15[%get3A_356] {strides = array<i32>} : memref<256xi32, #tpu.memory_space<vmem>>, vector<16xi32>,
      %lt3A_358 = arith.cmpi slt, %add3A_355, %scan3A_57#2 : vector<16xi32>
      %select_n3A_359 = arith.select %lt3A_358, %get3A_357, %min3A_186 : vector<16xi1>, vector<16xi32>
      %gather3A_360 = tpu.vector_load_idx %arg8[%select_n3A_359] : memref<2048xf32, #tpu.memory_space<vmem>>[vector<16xi32>], vector<16xf32>,
      %sub3A_361 = arith.subf %gather3A_360, %gather3A : vector<16xf32>
      %gather3A_362 = tpu.vector_load_idx %arg9[%select_n3A_359] : memref<2048xf32, #tpu.memory_space<vmem>>[vector<16xi32>], vector<16xf32>,
      %sub3A_363 = arith.subf %gather3A_362, %gather3A_43 : vector<16xf32>
      %gather3A_364 = tpu.vector_load_idx %arg10[%select_n3A_359] : memref<2048xf32, #tpu.memory_space<vmem>>[vector<16xi32>], vector<16xf32>,
      %sub3A_365 = arith.subf %gather3A_364, %gather3A_47 : vector<16xf32>
      %add3A_366 = arith.constant 96 : i32
      %add3A_367 = vector.broadcast %add3A_366 : i32 to vector<16xi32>
      %add3A_368 = arith.addi %add3A_367, %iota3A : vector<16xi32>
      %mul3A_369 = arith.constant 3 : i32
      %mul3A_370 = vector.broadcast %mul3A_369 : i32 to vector<16xi32>
      %mul3A_371 = arith.muli %add3A_368, %mul3A_370 : vector<16xi32>
      %add3A_372 = vector.broadcast %mul3A_190 : i32 to vector<16xi32>
      %add3A_373 = arith.addi %add3A_372, %mul3A_371 : vector<16xi32>
      tpu.vector_store_idx %arg18[%add3A_373], %sub3A_361 : memref<49152xf32, #tpu.memory_space<vmem>>[vector<16xi32>], vector<16xf32>,
      %add3A_374 = arith.constant 1 : i32
      %add3A_375 = vector.broadcast %add3A_374 : i32 to vector<16xi32>
      %add3A_376 = arith.addi %add3A_373, %add3A_375 : vector<16xi32>
      tpu.vector_store_idx %arg18[%add3A_376], %sub3A_363 : memref<49152xf32, #tpu.memory_space<vmem>>[vector<16xi32>], vector<16xf32>,
      %add3A_377 = arith.constant 2 : i32
      %add3A_378 = vector.broadcast %add3A_377 : i32 to vector<16xi32>
      %add3A_379 = arith.addi %add3A_373, %add3A_378 : vector<16xi32>
      tpu.vector_store_idx %arg18[%add3A_379], %sub3A_365 : memref<49152xf32, #tpu.memory_space<vmem>>[vector<16xi32>], vector<16xf32>,
      %add3A_380 = arith.constant 112 : i32
      %add3A_381 = vector.broadcast %add3A_380 : i32 to vector<16xi32>
      %add3A_382 = arith.addi %add3A_381, %iota3A : vector<16xi32>
      %get3A_383 = arith.constant 112 : index
      %get3A_384 = tpu.vector_load %arg15[%get3A_383] {strides = array<i32>} : memref<256xi32, #tpu.memory_space<vmem>>, vector<16xi32>,
      %lt3A_385 = arith.cmpi slt, %add3A_382, %scan3A_57#2 : vector<16xi32>
      %select_n3A_386 = arith.select %lt3A_385, %get3A_384, %min3A_186 : vector<16xi1>, vector<16xi32>
      %gather3A_387 = tpu.vector_load_idx %arg8[%select_n3A_386] : memref<2048xf32, #tpu.memory_space<vmem>>[vector<16xi32>], vector<16xf32>,
      %sub3A_388 = arith.subf %gather3A_387, %gather3A : vector<16xf32>
      %gather3A_389 = tpu.vector_load_idx %arg9[%select_n3A_386] : memref<2048xf32, #tpu.memory_space<vmem>>[vector<16xi32>], vector<16xf32>,
      %sub3A_390 = arith.subf %gather3A_389, %gather3A_43 : vector<16xf32>
      %gather3A_391 = tpu.vector_load_idx %arg10[%select_n3A_386] : memref<2048xf32, #tpu.memory_space<vmem>>[vector<16xi32>], vector<16xf32>,
      %sub3A_392 = arith.subf %gather3A_391, %gather3A_47 : vector<16xf32>
      %add3A_393 = arith.constant 112 : i32
      %add3A_394 = vector.broadcast %add3A_393 : i32 to vector<16xi32>
      %add3A_395 = arith.addi %add3A_394, %iota3A : vector<16xi32>
      %mul3A_396 = arith.constant 3 : i32
      %mul3A_397 = vector.broadcast %mul3A_396 : i32 to vector<16xi32>
      %mul3A_398 = arith.muli %add3A_395, %mul3A_397 : vector<16xi32>
      %add3A_399 = vector.broadcast %mul3A_190 : i32 to vector<16xi32>
      %add3A_400 = arith.addi %add3A_399, %mul3A_398 : vector<16xi32>
      tpu.vector_store_idx %arg18[%add3A_400], %sub3A_388 : memref<49152xf32, #tpu.memory_space<vmem>>[vector<16xi32>], vector<16xf32>,
      %add3A_401 = arith.constant 1 : i32
      %add3A_402 = vector.broadcast %add3A_401 : i32 to vector<16xi32>
      %add3A_403 = arith.addi %add3A_400, %add3A_402 : vector<16xi32>
      tpu.vector_store_idx %arg18[%add3A_403], %sub3A_390 : memref<49152xf32, #tpu.memory_space<vmem>>[vector<16xi32>], vector<16xf32>,
      %add3A_404 = arith.constant 2 : i32
      %add3A_405 = vector.broadcast %add3A_404 : i32 to vector<16xi32>
      %add3A_406 = arith.addi %add3A_400, %add3A_405 : vector<16xi32>
      tpu.vector_store_idx %arg18[%add3A_406], %sub3A_392 : memref<49152xf32, #tpu.memory_space<vmem>>[vector<16xi32>], vector<16xf32>,
      %scan3A_407 = arith.constant 0 : i32
      scf.yield %scan3A_407 : i32
    }
    %scan3A_12 = arith.constant 128 : i32
    %mul3A_13 = arith.constant 256 : i32
    %mul3A_14 = arith.muli %arg1, %mul3A_13 : i32
    %add3A = arith.addi %mul3A_14, %mul3A_0 : i32
    %mul3A_15 = arith.constant 16 : i32
    %mul3A_16 = arith.muli %add3A, %mul3A_15 : i32
    %mul3A_17 = arith.constant 3 : i32
    %mul3A_18 = arith.muli %mul3A_16, %mul3A_17 : i32
    "tpu.region"() ({
      %run_scoped3A_33 = tpu.sem_alloc : memref<!tpu.dma_semaphore, #tpu.memory_space<semaphore_mem>>
      %dma_start3A = tpu.memref_slice %arg5[%mul3A_18] : memref<196608xf32, #tpu.memory_space<hbm>> -> memref<6144xf32, #tpu.memory_space<hbm>>
      %dma_start3A_34 = tpu.memref_slice %arg5[%mul3A_18] : memref<196608xf32, #tpu.memory_space<hbm>> -> memref<6144xf32, #tpu.memory_space<hbm>>
      tpu.enqueue_dma source(%arg16 : memref<6144xf32, #tpu.memory_space<vmem>>) target(%dma_start3A_34 : memref<6144xf32, #tpu.memory_space<hbm>>) target_semaphore(%run_scoped3A_33 : memref<!tpu.dma_semaphore, #tpu.memory_space<semaphore_mem>>)
      %dma_wait3A = tpu.memref_slice %arg5[%mul3A_18] : memref<196608xf32, #tpu.memory_space<hbm>> -> memref<6144xf32, #tpu.memory_space<hbm>>
      %dma_wait3A_35 = tpu.memref_slice %arg5[%mul3A_18] : memref<196608xf32, #tpu.memory_space<hbm>> -> memref<6144xf32, #tpu.memory_space<hbm>>
      tpu.wait_dma2 semaphore(%run_scoped3A_33 : memref<!tpu.dma_semaphore, #tpu.memory_space<semaphore_mem>>) src(%arg16 : memref<6144xf32, #tpu.memory_space<vmem>>) dst(%dma_wait3A_35 : memref<6144xf32, #tpu.memory_space<hbm>>)
      tpu.yield
    }) : () -> ()
    %mul3A_19 = arith.constant 256 : i32
    %mul3A_20 = arith.muli %arg1, %mul3A_19 : i32
    %add3A_21 = arith.addi %mul3A_20, %mul3A_0 : i32
    %mul3A_22 = arith.constant 32 : i32
    %mul3A_23 = arith.muli %add3A_21, %mul3A_22 : i32
    %mul3A_24 = arith.constant 3 : i32
    %mul3A_25 = arith.muli %mul3A_23, %mul3A_24 : i32
    "tpu.region"() ({
      %run_scoped3A_33 = tpu.sem_alloc : memref<!tpu.dma_semaphore, #tpu.memory_space<semaphore_mem>>
      %dma_start3A = tpu.memref_slice %arg6[%mul3A_25] : memref<393216xf32, #tpu.memory_space<hbm>> -> memref<12288xf32, #tpu.memory_space<hbm>>
      %dma_start3A_34 = tpu.memref_slice %arg6[%mul3A_25] : memref<393216xf32, #tpu.memory_space<hbm>> -> memref<12288xf32, #tpu.memory_space<hbm>>
      tpu.enqueue_dma source(%arg17 : memref<12288xf32, #tpu.memory_space<vmem>>) target(%dma_start3A_34 : memref<12288xf32, #tpu.memory_space<hbm>>) target_semaphore(%run_scoped3A_33 : memref<!tpu.dma_semaphore, #tpu.memory_space<semaphore_mem>>)
      %dma_wait3A = tpu.memref_slice %arg6[%mul3A_25] : memref<393216xf32, #tpu.memory_space<hbm>> -> memref<12288xf32, #tpu.memory_space<hbm>>
      %dma_wait3A_35 = tpu.memref_slice %arg6[%mul3A_25] : memref<393216xf32, #tpu.memory_space<hbm>> -> memref<12288xf32, #tpu.memory_space<hbm>>
      tpu.wait_dma2 semaphore(%run_scoped3A_33 : memref<!tpu.dma_semaphore, #tpu.memory_space<semaphore_mem>>) src(%arg17 : memref<12288xf32, #tpu.memory_space<vmem>>) dst(%dma_wait3A_35 : memref<12288xf32, #tpu.memory_space<hbm>>)
      tpu.yield
    }) : () -> ()
    %mul3A_26 = arith.constant 256 : i32
    %mul3A_27 = arith.muli %arg1, %mul3A_26 : i32
    %add3A_28 = arith.addi %mul3A_27, %mul3A_0 : i32
    %mul3A_29 = arith.constant 128 : i32
    %mul3A_30 = arith.muli %add3A_28, %mul3A_29 : i32
    %mul3A_31 = arith.constant 3 : i32
    %mul3A_32 = arith.muli %mul3A_30, %mul3A_31 : i32
    "tpu.region"() ({
      %run_scoped3A_33 = tpu.sem_alloc : memref<!tpu.dma_semaphore, #tpu.memory_space<semaphore_mem>>
      %dma_start3A = tpu.memref_slice %arg7[%mul3A_32] : memref<1572864xf32, #tpu.memory_space<hbm>> -> memref<49152xf32, #tpu.memory_space<hbm>>
      %dma_start3A_34 = tpu.memref_slice %arg7[%mul3A_32] : memref<1572864xf32, #tpu.memory_space<hbm>> -> memref<49152xf32, #tpu.memory_space<hbm>>
      tpu.enqueue_dma source(%arg18 : memref<49152xf32, #tpu.memory_space<vmem>>) target(%dma_start3A_34 : memref<49152xf32, #tpu.memory_space<hbm>>) target_semaphore(%run_scoped3A_33 : memref<!tpu.dma_semaphore, #tpu.memory_space<semaphore_mem>>)
      %dma_wait3A = tpu.memref_slice %arg7[%mul3A_32] : memref<1572864xf32, #tpu.memory_space<hbm>> -> memref<49152xf32, #tpu.memory_space<hbm>>
      %dma_wait3A_35 = tpu.memref_slice %arg7[%mul3A_32] : memref<1572864xf32, #tpu.memory_space<hbm>> -> memref<49152xf32, #tpu.memory_space<hbm>>
      tpu.wait_dma2 semaphore(%run_scoped3A_33 : memref<!tpu.dma_semaphore, #tpu.memory_space<semaphore_mem>>) src(%arg18 : memref<49152xf32, #tpu.memory_space<vmem>>) dst(%dma_wait3A_35 : memref<49152xf32, #tpu.memory_space<hbm>>)
      tpu.yield
    }) : () -> ()
    return
  }
}

module attributes {stable_mosaic.version = 14 : i64} {
  func.func @_mask_body(%arg0: i32, %arg1: memref<1x256x3xf32, #tpu.memory_space<vmem>>, %arg2: memref<1x3x2048xf32, #tpu.memory_space<vmem>>, %arg3: memref<1x256x2048xi32, #tpu.memory_space<vmem>>) attributes {dimension_semantics = [#tpu.dimension_semantics<arbitrary>], iteration_bounds = array<i64: 16>, scalar_prefetch = 0 : i64, scratch_operands = 0 : i64, tpu.core_type = #tpu.core_type<tc>, window_params = [{transform_indices = @transform_0, window_bounds = array<i64: 1, 256, 3>}, {transform_indices = @transform_1, window_bounds = array<i64: 1, 3, 2048>}, {transform_indices = @transform_2, window_bounds = array<i64: 1, 256, 2048>}]} {
    %get3A = arith.constant 0 : index
    %get3A_0 = arith.constant 0 : index
    %get3A_1 = arith.constant 0 : index
    %get3A_2 = vector.load %arg1[%get3A, %get3A_0, %get3A_1] : memref<1x256x3xf32, #tpu.memory_space<vmem>>, vector<1x256x3xf32>
    %get3A_3 = vector.shape_cast %get3A_2 : vector<1x256x3xf32> to vector<256x3xf32>
    %get3A_4 = arith.constant 0 : index
    %get3A_5 = arith.constant 0 : index
    %get3A_6 = arith.constant 0 : index
    %get3A_7 = vector.load %arg2[%get3A_4, %get3A_5, %get3A_6] : memref<1x3x2048xf32, #tpu.memory_space<vmem>>, vector<1x3x2048xf32>
    %get3A_8 = vector.shape_cast %get3A_7 : vector<1x3x2048xf32> to vector<3x2048xf32>
    %dot_general3A = arith.constant dense<0.000000e+00> : vector<256x2048xf32>
    %dot_general3A_9 = tpu.matmul %get3A_3, %get3A_8, %dot_general3A {dimension_numbers = #tpu.dot_dimension_numbers<[1], [0], [0], [1], [0, 0, 1, 1], [], []>, transpose_lhs_hint = false} : vector<256x3xf32>, vector<3x2048xf32>, vector<256x2048xf32> -> vector<256x2048xf32>
    %mul3A = arith.mulf %get3A_3, %get3A_3 : vector<256x3xf32>
    %reduce_sum3A = arith.constant dense<0.000000e+00> : vector<256xf32>
    %reduce_sum3A_10 = vector.multi_reduction <add>, %mul3A, %reduce_sum3A [1] : vector<256x3xf32> to vector<256xf32>
    %broadcast_in_dim3A = vector.shape_cast %reduce_sum3A_10 : vector<256xf32> to vector<256x1xf32>
    %mul3A_11 = arith.mulf %get3A_8, %get3A_8 : vector<3x2048xf32>
    %reduce_sum3A_12 = arith.constant dense<0.000000e+00> : vector<2048xf32>
    %reduce_sum3A_13 = vector.multi_reduction <add>, %mul3A_11, %reduce_sum3A_12 [0] : vector<3x2048xf32> to vector<2048xf32>
    %broadcast_in_dim3A_14 = vector.shape_cast %reduce_sum3A_13 : vector<2048xf32> to vector<1x2048xf32>
    %mul3A_15 = arith.constant -2.000000e+00 : f32
    %mul3A_16 = vector.broadcast %mul3A_15 : f32 to vector<256x2048xf32>
    %mul3A_17 = arith.mulf %mul3A_16, %dot_general3A_9 : vector<256x2048xf32>
    %add3A = vector.broadcast %broadcast_in_dim3A : vector<256x1xf32> to vector<256x2048xf32>
    %add3A_18 = arith.addf %mul3A_17, %add3A : vector<256x2048xf32>
    %add3A_19 = vector.broadcast %broadcast_in_dim3A_14 : vector<1x2048xf32> to vector<256x2048xf32>
    %add3A_20 = arith.addf %add3A_18, %add3A_19 : vector<256x2048xf32>
    %le3A = arith.constant 0.00999999977 : f32
    %le3A_21 = vector.broadcast %le3A : f32 to vector<256x2048xf32>
    %le3A_22 = arith.cmpf ole, %add3A_20, %le3A_21 : vector<256x2048xf32>
    %jit3A = arith.constant 1 : i32
    %jit3A_23 = arith.constant 0 : i32
    %broadcast_in_dim3A_24 = vector.broadcast %jit3A : i32 to vector<256x2048xi32>
    %broadcast_in_dim3A_25 = vector.broadcast %jit3A_23 : i32 to vector<256x2048xi32>
    %select_n3A = arith.select %le3A_22, %broadcast_in_dim3A_24, %broadcast_in_dim3A_25 : vector<256x2048xi1>, vector<256x2048xi32>
    %le3A_26 = arith.constant 4.000000e-02 : f32
    %le3A_27 = vector.broadcast %le3A_26 : f32 to vector<256x2048xf32>
    %le3A_28 = arith.cmpf ole, %add3A_20, %le3A_27 : vector<256x2048xf32>
    %jit3A_29 = arith.constant 2 : i32
    %jit3A_30 = arith.constant 0 : i32
    %broadcast_in_dim3A_31 = vector.broadcast %jit3A_29 : i32 to vector<256x2048xi32>
    %broadcast_in_dim3A_32 = vector.broadcast %jit3A_30 : i32 to vector<256x2048xi32>
    %select_n3A_33 = arith.select %le3A_28, %broadcast_in_dim3A_31, %broadcast_in_dim3A_32 : vector<256x2048xi1>, vector<256x2048xi32>
    %add3A_34 = arith.addi %select_n3A, %select_n3A_33 : vector<256x2048xi32>
    %le3A_35 = arith.constant 1.600000e-01 : f32
    %le3A_36 = vector.broadcast %le3A_35 : f32 to vector<256x2048xf32>
    %le3A_37 = arith.cmpf ole, %add3A_20, %le3A_36 : vector<256x2048xf32>
    %jit3A_38 = arith.constant 4 : i32
    %jit3A_39 = arith.constant 0 : i32
    %broadcast_in_dim3A_40 = vector.broadcast %jit3A_38 : i32 to vector<256x2048xi32>
    %broadcast_in_dim3A_41 = vector.broadcast %jit3A_39 : i32 to vector<256x2048xi32>
    %select_n3A_42 = arith.select %le3A_37, %broadcast_in_dim3A_40, %broadcast_in_dim3A_41 : vector<256x2048xi1>, vector<256x2048xi32>
    %add3A_43 = arith.addi %add3A_34, %select_n3A_42 : vector<256x2048xi32>
    %swap3A = arith.constant 0 : index
    %swap3A_44 = arith.constant 0 : index
    %swap3A_45 = arith.constant 0 : index
    %swap3A_46 = vector.load %arg3[%swap3A, %swap3A_44, %swap3A_45] : memref<1x256x2048xi32, #tpu.memory_space<vmem>>, vector<1x256x2048xi32>
    %swap3A_47 = vector.shape_cast %swap3A_46 : vector<1x256x2048xi32> to vector<256x2048xi32>
    %swap3A_48 = vector.shape_cast %add3A_43 : vector<256x2048xi32> to vector<1x256x2048xi32>
    tpu.vector_store %arg3[%swap3A, %swap3A_44, %swap3A_45], %swap3A_48 {strides = array<i32>} : memref<1x256x2048xi32, #tpu.memory_space<vmem>>, vector<1x256x2048xi32>,
    return
  }
  func.func @transform_0(%arg0: i32) -> (i32, i32, i32) {
    %c0_i32 = arith.constant 0 : i32
    %c0_i32_0 = arith.constant 0 : i32
    %c0_i32_1 = arith.constant 0 : i32
    return %arg0, %c0_i32, %c0_i32_0 : i32, i32, i32
  }
  func.func @transform_1(%arg0: i32) -> (i32, i32, i32) {
    %c0_i32 = arith.constant 0 : i32
    %c0_i32_0 = arith.constant 0 : i32
    %c0_i32_1 = arith.constant 0 : i32
    return %arg0, %c0_i32, %c0_i32_0 : i32, i32, i32
  }
  func.func @transform_2(%arg0: i32) -> (i32, i32, i32) {
    %c0_i32 = arith.constant 0 : i32
    %c0_i32_0 = arith.constant 0 : i32
    %c0_i32_1 = arith.constant 0 : i32
    return %arg0, %c0_i32, %c0_i32_0 : i32, i32, i32
  }
}

module attributes {stable_mosaic.version = 14 : i64} {
  func.func @_fps_body(%arg0: memref<3x16x2048xf32, #tpu.memory_space<vmem>>, %arg1: memref<3x16x256xf32, #tpu.memory_space<vmem>>) attributes {dimension_semantics = [], scalar_prefetch = 0 : i64, scratch_operands = 0 : i64, tpu.core_type = #tpu.core_type<tc>} {
    %get3A = arith.constant 0 : index
    %get3A_0 = arith.constant 0 : index
    %get3A_1 = arith.constant 0 : index
    %get3A_2 = vector.load %arg0[%get3A, %get3A_0, %get3A_1] : memref<3x16x2048xf32, #tpu.memory_space<vmem>>, vector<1x16x2048xf32>
    %get3A_3 = vector.shape_cast %get3A_2 : vector<1x16x2048xf32> to vector<16x2048xf32>
    %get3A_4 = arith.constant 1 : index
    %get3A_5 = arith.constant 0 : index
    %get3A_6 = arith.constant 0 : index
    %get3A_7 = vector.load %arg0[%get3A_4, %get3A_5, %get3A_6] : memref<3x16x2048xf32, #tpu.memory_space<vmem>>, vector<1x16x2048xf32>
    %get3A_8 = vector.shape_cast %get3A_7 : vector<1x16x2048xf32> to vector<16x2048xf32>
    %get3A_9 = arith.constant 2 : index
    %get3A_10 = arith.constant 0 : index
    %get3A_11 = arith.constant 0 : index
    %get3A_12 = vector.load %arg0[%get3A_9, %get3A_10, %get3A_11] : memref<3x16x2048xf32, #tpu.memory_space<vmem>>, vector<1x16x2048xf32>
    %get3A_13 = vector.shape_cast %get3A_12 : vector<1x16x2048xf32> to vector<16x2048xf32>
    %iota3A = tpu.iota {dimensions = array<i32: 1>} : vector<16x2048xi32>
    %iota3A_14 = tpu.iota {dimensions = array<i32: 1>} : vector<16x256xi32>
    %broadcast_in_dim3A = arith.constant 1.000000e+10 : f32
    %broadcast_in_dim3A_15 = vector.broadcast %broadcast_in_dim3A : f32 to vector<16x2048xf32>
    %broadcast_in_dim3A_16 = arith.constant 0 : i32
    %broadcast_in_dim3A_17 = vector.broadcast %broadcast_in_dim3A_16 : i32 to vector<16x1xi32>
    %broadcast_in_dim3A_18 = arith.constant 0.000000e+00 : f32
    %broadcast_in_dim3A_19 = vector.broadcast %broadcast_in_dim3A_18 : f32 to vector<16x256xf32>
    %scan3A = arith.constant 0 : i32
    %scan3A_20 = arith.constant 256 : i32
    %scan3A_21 = arith.addi %scan3A, %scan3A_20 : i32
    %scan3A_22 = arith.constant 1 : i32
    %scan3A_23:5 = scf.for %scan3A_42 = %scan3A to %scan3A_21 step %scan3A_22 iter_args(%scan3A_43 = %broadcast_in_dim3A_15, %scan3A_44 = %broadcast_in_dim3A_17, %scan3A_45 = %broadcast_in_dim3A_19, %scan3A_46 = %broadcast_in_dim3A_19, %scan3A_47 = %broadcast_in_dim3A_19) -> (vector<16x2048xf32>, vector<16x1xi32>, vector<16x256xf32>, vector<16x256xf32>, vector<16x256xf32>)  : i32 {
      %eq3A = vector.broadcast %scan3A_44 : vector<16x1xi32> to vector<16x2048xi32>
      %eq3A_48 = arith.cmpi eq, %iota3A, %eq3A : vector<16x2048xi32>
      %jit3A = arith.constant 0.000000e+00 : f32
      %broadcast_in_dim3A_49 = vector.broadcast %jit3A : f32 to vector<16x2048xf32>
      %select_n3A = arith.select %eq3A_48, %get3A_3, %broadcast_in_dim3A_49 : vector<16x2048xi1>, vector<16x2048xf32>
      %reduce_sum3A = arith.constant dense<0.000000e+00> : vector<16xf32>
      %reduce_sum3A_50 = vector.multi_reduction <add>, %select_n3A, %reduce_sum3A [1] : vector<16x2048xf32> to vector<16xf32>
      %broadcast_in_dim3A_51 = vector.shape_cast %reduce_sum3A_50 : vector<16xf32> to vector<16x1xf32>
      %jit3A_52 = arith.constant 0.000000e+00 : f32
      %broadcast_in_dim3A_53 = vector.broadcast %jit3A_52 : f32 to vector<16x2048xf32>
      %select_n3A_54 = arith.select %eq3A_48, %get3A_8, %broadcast_in_dim3A_53 : vector<16x2048xi1>, vector<16x2048xf32>
      %reduce_sum3A_55 = arith.constant dense<0.000000e+00> : vector<16xf32>
      %reduce_sum3A_56 = vector.multi_reduction <add>, %select_n3A_54, %reduce_sum3A_55 [1] : vector<16x2048xf32> to vector<16xf32>
      %broadcast_in_dim3A_57 = vector.shape_cast %reduce_sum3A_56 : vector<16xf32> to vector<16x1xf32>
      %jit3A_58 = arith.constant 0.000000e+00 : f32
      %broadcast_in_dim3A_59 = vector.broadcast %jit3A_58 : f32 to vector<16x2048xf32>
      %select_n3A_60 = arith.select %eq3A_48, %get3A_13, %broadcast_in_dim3A_59 : vector<16x2048xi1>, vector<16x2048xf32>
      %reduce_sum3A_61 = arith.constant dense<0.000000e+00> : vector<16xf32>
      %reduce_sum3A_62 = vector.multi_reduction <add>, %select_n3A_60, %reduce_sum3A_61 [1] : vector<16x2048xf32> to vector<16xf32>
      %broadcast_in_dim3A_63 = vector.shape_cast %reduce_sum3A_62 : vector<16xf32> to vector<16x1xf32>
      %eq3A_64 = vector.broadcast %scan3A_42 : i32 to vector<16x256xi32>
      %eq3A_65 = arith.cmpi eq, %iota3A_14, %eq3A_64 : vector<16x256xi32>
      %broadcast_in_dim3A_66 = vector.shape_cast %broadcast_in_dim3A_51 : vector<16x1xf32> to vector<16x1xf32>
      %broadcast_in_dim3A_67 = vector.broadcast %broadcast_in_dim3A_66 : vector<16x1xf32> to vector<16x256xf32>
      %select_n3A_68 = arith.select %eq3A_65, %broadcast_in_dim3A_67, %scan3A_45 : vector<16x256xi1>, vector<16x256xf32>
      %broadcast_in_dim3A_69 = vector.shape_cast %broadcast_in_dim3A_57 : vector<16x1xf32> to vector<16x1xf32>
      %broadcast_in_dim3A_70 = vector.broadcast %broadcast_in_dim3A_69 : vector<16x1xf32> to vector<16x256xf32>
      %select_n3A_71 = arith.select %eq3A_65, %broadcast_in_dim3A_70, %scan3A_46 : vector<16x256xi1>, vector<16x256xf32>
      %broadcast_in_dim3A_72 = vector.shape_cast %broadcast_in_dim3A_63 : vector<16x1xf32> to vector<16x1xf32>
      %broadcast_in_dim3A_73 = vector.broadcast %broadcast_in_dim3A_72 : vector<16x1xf32> to vector<16x256xf32>
      %select_n3A_74 = arith.select %eq3A_65, %broadcast_in_dim3A_73, %scan3A_47 : vector<16x256xi1>, vector<16x256xf32>
      %sub3A = vector.broadcast %broadcast_in_dim3A_51 : vector<16x1xf32> to vector<16x2048xf32>
      %sub3A_75 = arith.subf %get3A_3, %sub3A : vector<16x2048xf32>
      %integer_pow3A = arith.mulf %sub3A_75, %sub3A_75 : vector<16x2048xf32>
      %sub3A_76 = vector.broadcast %broadcast_in_dim3A_57 : vector<16x1xf32> to vector<16x2048xf32>
      %sub3A_77 = arith.subf %get3A_8, %sub3A_76 : vector<16x2048xf32>
      %integer_pow3A_78 = arith.mulf %sub3A_77, %sub3A_77 : vector<16x2048xf32>
      %add3A = arith.addf %integer_pow3A, %integer_pow3A_78 : vector<16x2048xf32>
      %sub3A_79 = vector.broadcast %broadcast_in_dim3A_63 : vector<16x1xf32> to vector<16x2048xf32>
      %sub3A_80 = arith.subf %get3A_13, %sub3A_79 : vector<16x2048xf32>
      %integer_pow3A_81 = arith.mulf %sub3A_80, %sub3A_80 : vector<16x2048xf32>
      %add3A_82 = arith.addf %add3A, %integer_pow3A_81 : vector<16x2048xf32>
      %min3A = arith.minimumf %scan3A_43, %add3A_82 : vector<16x2048xf32>
      %reduce_max3A = arith.constant dense<0xFF800000> : vector<16xf32>
      %reduce_max3A_83 = vector.multi_reduction <maximumf>, %min3A, %reduce_max3A [1] : vector<16x2048xf32> to vector<16xf32>
      %broadcast_in_dim3A_84 = vector.shape_cast %reduce_max3A_83 : vector<16xf32> to vector<16x1xf32>
      %eq3A_85 = vector.broadcast %broadcast_in_dim3A_84 : vector<16x1xf32> to vector<16x2048xf32>
      %eq3A_86 = arith.cmpf oeq, %min3A, %eq3A_85 : vector<16x2048xf32>
      %jit3A_87 = arith.constant 2048 : i32
      %broadcast_in_dim3A_88 = vector.broadcast %jit3A_87 : i32 to vector<16x2048xi32>
      %select_n3A_89 = arith.select %eq3A_86, %iota3A, %broadcast_in_dim3A_88 : vector<16x2048xi1>, vector<16x2048xi32>
      %reduce_min3A = arith.constant dense<2147483647> : vector<16xi32>
      %reduce_min3A_90 = vector.multi_reduction <minsi>, %select_n3A_89, %reduce_min3A [1] : vector<16x2048xi32> to vector<16xi32>
      %broadcast_in_dim3A_91 = vector.shape_cast %reduce_min3A_90 : vector<16xi32> to vector<16x1xi32>
      scf.yield %min3A, %broadcast_in_dim3A_91, %select_n3A_68, %select_n3A_71, %select_n3A_74 : vector<16x2048xf32>, vector<16x1xi32>, vector<16x256xf32>, vector<16x256xf32>, vector<16x256xf32>
    }
    %scan3A_24 = arith.constant 256 : i32
    %swap3A = arith.constant 0 : index
    %swap3A_25 = arith.constant 0 : index
    %swap3A_26 = arith.constant 0 : index
    %swap3A_27 = vector.load %arg1[%swap3A, %swap3A_25, %swap3A_26] : memref<3x16x256xf32, #tpu.memory_space<vmem>>, vector<1x16x256xf32>
    %swap3A_28 = vector.shape_cast %swap3A_27 : vector<1x16x256xf32> to vector<16x256xf32>
    %swap3A_29 = vector.shape_cast %scan3A_23#2 : vector<16x256xf32> to vector<1x16x256xf32>
    tpu.vector_store %arg1[%swap3A, %swap3A_25, %swap3A_26], %swap3A_29 {strides = array<i32>} : memref<3x16x256xf32, #tpu.memory_space<vmem>>, vector<1x16x256xf32>,
    %swap3A_30 = arith.constant 1 : index
    %swap3A_31 = arith.constant 0 : index
    %swap3A_32 = arith.constant 0 : index
    %swap3A_33 = vector.load %arg1[%swap3A_30, %swap3A_31, %swap3A_32] : memref<3x16x256xf32, #tpu.memory_space<vmem>>, vector<1x16x256xf32>
    %swap3A_34 = vector.shape_cast %swap3A_33 : vector<1x16x256xf32> to vector<16x256xf32>
    %swap3A_35 = vector.shape_cast %scan3A_23#3 : vector<16x256xf32> to vector<1x16x256xf32>
    tpu.vector_store %arg1[%swap3A_30, %swap3A_31, %swap3A_32], %swap3A_35 {strides = array<i32>} : memref<3x16x256xf32, #tpu.memory_space<vmem>>, vector<1x16x256xf32>,
    %swap3A_36 = arith.constant 2 : index
    %swap3A_37 = arith.constant 0 : index
    %swap3A_38 = arith.constant 0 : index
    %swap3A_39 = vector.load %arg1[%swap3A_36, %swap3A_37, %swap3A_38] : memref<3x16x256xf32, #tpu.memory_space<vmem>>, vector<1x16x256xf32>
    %swap3A_40 = vector.shape_cast %swap3A_39 : vector<1x16x256xf32> to vector<16x256xf32>
    %swap3A_41 = vector.shape_cast %scan3A_23#4 : vector<16x256xf32> to vector<1x16x256xf32>
    tpu.vector_store %arg1[%swap3A_36, %swap3A_37, %swap3A_38], %swap3A_41 {strides = array<i32>} : memref<3x16x256xf32, #tpu.memory_space<vmem>>, vector<1x16x256xf32>,
    return
  }
}

module attributes {stable_mosaic.version = 14 : i64} {
  func.func @_mlp_body(%arg0: i32, %arg1: memref<8192x3xf32, #tpu.memory_space<vmem>>, %arg2: memref<3x32xf32, #tpu.memory_space<vmem>>, %arg3: memref<1x32xf32, #tpu.memory_space<vmem>>, %arg4: memref<32x48xf32, #tpu.memory_space<vmem>>, %arg5: memref<1x48xf32, #tpu.memory_space<vmem>>, %arg6: memref<48x64xf32, #tpu.memory_space<vmem>>, %arg7: memref<1x64xf32, #tpu.memory_space<vmem>>, %arg8: memref<64x1xf32, #tpu.memory_space<vmem>>, %arg9: memref<64x1xf32, #tpu.memory_space<vmem>>) attributes {dimension_semantics = [#tpu.dimension_semantics<arbitrary>], iteration_bounds = array<i64: 64>, scalar_prefetch = 0 : i64, scratch_operands = 0 : i64, tpu.core_type = #tpu.core_type<tc>, window_params = [{transform_indices = @transform_0, window_bounds = array<i64: 8192, 3>}, {pipeline_mode = #tpu.pipeline_mode<synchronous>, transform_indices = @transform_1, window_bounds = array<i64: 3, 32>}, {pipeline_mode = #tpu.pipeline_mode<synchronous>, transform_indices = @transform_2, window_bounds = array<i64: 1, 32>}, {pipeline_mode = #tpu.pipeline_mode<synchronous>, transform_indices = @transform_3, window_bounds = array<i64: 32, 48>}, {pipeline_mode = #tpu.pipeline_mode<synchronous>, transform_indices = @transform_4, window_bounds = array<i64: 1, 48>}, {pipeline_mode = #tpu.pipeline_mode<synchronous>, transform_indices = @transform_5, window_bounds = array<i64: 48, 64>}, {pipeline_mode = #tpu.pipeline_mode<synchronous>, transform_indices = @transform_6, window_bounds = array<i64: 1, 64>}, {pipeline_mode = #tpu.pipeline_mode<synchronous>, transform_indices = @transform_7, window_bounds = array<i64: 64, 1>}, {transform_indices = @transform_8, window_bounds = array<i64: 64, 1>}]} {
    %get3A = arith.constant 0 : index
    %get3A_0 = arith.constant 0 : index
    %get3A_1 = vector.load %arg1[%get3A, %get3A_0] : memref<8192x3xf32, #tpu.memory_space<vmem>>, vector<8192x3xf32>
    %get3A_2 = arith.constant 0 : index
    %get3A_3 = arith.constant 0 : index
    %get3A_4 = vector.load %arg2[%get3A_2, %get3A_3] : memref<3x32xf32, #tpu.memory_space<vmem>>, vector<3x32xf32>
    %dot_general3A = arith.constant dense<0.000000e+00> : vector<8192x32xf32>
    %dot_general3A_5 = tpu.matmul %get3A_1, %get3A_4, %dot_general3A {dimension_numbers = #tpu.dot_dimension_numbers<[1], [0], [0], [1], [0, 0, 1, 1], [], []>, transpose_lhs_hint = false} : vector<8192x3xf32>, vector<3x32xf32>, vector<8192x32xf32> -> vector<8192x32xf32>
    %get3A_6 = arith.constant 0 : index
    %get3A_7 = arith.constant 0 : index
    %get3A_8 = vector.load %arg3[%get3A_6, %get3A_7] : memref<1x32xf32, #tpu.memory_space<vmem>>, vector<1x32xf32>
    %add3A = vector.broadcast %get3A_8 : vector<1x32xf32> to vector<8192x32xf32>
    %add3A_9 = arith.addf %dot_general3A_5, %add3A : vector<8192x32xf32>
    %max3A = arith.constant 0.000000e+00 : f32
    %max3A_10 = vector.broadcast %max3A : f32 to vector<8192x32xf32>
    %max3A_11 = arith.maximumf %add3A_9, %max3A_10 : vector<8192x32xf32>
    %get3A_12 = arith.constant 0 : index
    %get3A_13 = arith.constant 0 : index
    %get3A_14 = vector.load %arg4[%get3A_12, %get3A_13] : memref<32x48xf32, #tpu.memory_space<vmem>>, vector<32x48xf32>
    %dot_general3A_15 = arith.constant dense<0.000000e+00> : vector<8192x48xf32>
    %dot_general3A_16 = tpu.matmul %max3A_11, %get3A_14, %dot_general3A_15 {dimension_numbers = #tpu.dot_dimension_numbers<[1], [0], [0], [1], [0, 0, 1, 1], [], []>, transpose_lhs_hint = false} : vector<8192x32xf32>, vector<32x48xf32>, vector<8192x48xf32> -> vector<8192x48xf32>
    %get3A_17 = arith.constant 0 : index
    %get3A_18 = arith.constant 0 : index
    %get3A_19 = vector.load %arg5[%get3A_17, %get3A_18] : memref<1x48xf32, #tpu.memory_space<vmem>>, vector<1x48xf32>
    %add3A_20 = vector.broadcast %get3A_19 : vector<1x48xf32> to vector<8192x48xf32>
    %add3A_21 = arith.addf %dot_general3A_16, %add3A_20 : vector<8192x48xf32>
    %max3A_22 = arith.constant 0.000000e+00 : f32
    %max3A_23 = vector.broadcast %max3A_22 : f32 to vector<8192x48xf32>
    %max3A_24 = arith.maximumf %add3A_21, %max3A_23 : vector<8192x48xf32>
    %get3A_25 = arith.constant 0 : index
    %get3A_26 = arith.constant 0 : index
    %get3A_27 = vector.load %arg6[%get3A_25, %get3A_26] : memref<48x64xf32, #tpu.memory_space<vmem>>, vector<48x64xf32>
    %dot_general3A_28 = arith.constant dense<0.000000e+00> : vector<8192x64xf32>
    %dot_general3A_29 = tpu.matmul %max3A_24, %get3A_27, %dot_general3A_28 {dimension_numbers = #tpu.dot_dimension_numbers<[1], [0], [0], [1], [0, 0, 1, 1], [], []>, transpose_lhs_hint = false} : vector<8192x48xf32>, vector<48x64xf32>, vector<8192x64xf32> -> vector<8192x64xf32>
    %get3A_30 = arith.constant 0 : index
    %get3A_31 = arith.constant 0 : index
    %get3A_32 = vector.load %arg7[%get3A_30, %get3A_31] : memref<1x64xf32, #tpu.memory_space<vmem>>, vector<1x64xf32>
    %add3A_33 = vector.broadcast %get3A_32 : vector<1x64xf32> to vector<8192x64xf32>
    %add3A_34 = arith.addf %dot_general3A_29, %add3A_33 : vector<8192x64xf32>
    %max3A_35 = arith.constant 0.000000e+00 : f32
    %max3A_36 = vector.broadcast %max3A_35 : f32 to vector<8192x64xf32>
    %max3A_37 = arith.maximumf %add3A_34, %max3A_36 : vector<8192x64xf32>
    %reshape3A = vector.shape_cast %max3A_37 : vector<8192x64xf32> to vector<64x128x64xf32>
    %reduce_max3A = arith.constant dense<0xFF800000> : vector<64x64xf32>
    %reduce_max3A_38 = vector.multi_reduction <maximumf>, %reshape3A, %reduce_max3A [1] : vector<64x128x64xf32> to vector<64x64xf32>
    %get3A_39 = arith.constant 0 : index
    %get3A_40 = arith.constant 0 : index
    %get3A_41 = vector.load %arg8[%get3A_39, %get3A_40] : memref<64x1xf32, #tpu.memory_space<vmem>>, vector<64x1xf32>
    %dot_general3A_42 = arith.constant dense<0.000000e+00> : vector<64x1xf32>
    %dot_general3A_43 = tpu.matmul %reduce_max3A_38, %get3A_41, %dot_general3A_42 {dimension_numbers = #tpu.dot_dimension_numbers<[1], [0], [0], [1], [0, 0, 1, 1], [], []>, transpose_lhs_hint = false} : vector<64x64xf32>, vector<64x1xf32>, vector<64x1xf32> -> vector<64x1xf32>
    %swap3A = arith.constant 0 : index
    %swap3A_44 = arith.constant 0 : index
    %swap3A_45 = vector.load %arg9[%swap3A, %swap3A_44] : memref<64x1xf32, #tpu.memory_space<vmem>>, vector<64x1xf32>
    tpu.vector_store %arg9[%swap3A, %swap3A_44], %dot_general3A_43 {strides = array<i32>} : memref<64x1xf32, #tpu.memory_space<vmem>>, vector<64x1xf32>,
    return
  }
  func.func @transform_0(%arg0: i32) -> (i32, i32) {
    %c0_i32 = arith.constant 0 : i32
    %c0_i32_0 = arith.constant 0 : i32
    return %arg0, %c0_i32 : i32, i32
  }
  func.func @transform_1(%arg0: i32) -> (i32, i32) {
    %c0_i32 = arith.constant 0 : i32
    %c0_i32_0 = arith.constant 0 : i32
    %c0_i32_1 = arith.constant 0 : i32
    return %c0_i32, %c0_i32_0 : i32, i32
  }
  func.func @transform_2(%arg0: i32) -> (i32, i32) {
    %c0_i32 = arith.constant 0 : i32
    %c0_i32_0 = arith.constant 0 : i32
    %c0_i32_1 = arith.constant 0 : i32
    return %c0_i32, %c0_i32_0 : i32, i32
  }
  func.func @transform_3(%arg0: i32) -> (i32, i32) {
    %c0_i32 = arith.constant 0 : i32
    %c0_i32_0 = arith.constant 0 : i32
    %c0_i32_1 = arith.constant 0 : i32
    return %c0_i32, %c0_i32_0 : i32, i32
  }
  func.func @transform_4(%arg0: i32) -> (i32, i32) {
    %c0_i32 = arith.constant 0 : i32
    %c0_i32_0 = arith.constant 0 : i32
    %c0_i32_1 = arith.constant 0 : i32
    return %c0_i32, %c0_i32_0 : i32, i32
  }
  func.func @transform_5(%arg0: i32) -> (i32, i32) {
    %c0_i32 = arith.constant 0 : i32
    %c0_i32_0 = arith.constant 0 : i32
    %c0_i32_1 = arith.constant 0 : i32
    return %c0_i32, %c0_i32_0 : i32, i32
  }
  func.func @transform_6(%arg0: i32) -> (i32, i32) {
    %c0_i32 = arith.constant 0 : i32
    %c0_i32_0 = arith.constant 0 : i32
    %c0_i32_1 = arith.constant 0 : i32
    return %c0_i32, %c0_i32_0 : i32, i32
  }
  func.func @transform_7(%arg0: i32) -> (i32, i32) {
    %c0_i32 = arith.constant 0 : i32
    %c0_i32_0 = arith.constant 0 : i32
    %c0_i32_1 = arith.constant 0 : i32
    return %c0_i32, %c0_i32_0 : i32, i32
  }
  func.func @transform_8(%arg0: i32) -> (i32, i32) {
    %c0_i32 = arith.constant 0 : i32
    %c0_i32_0 = arith.constant 0 : i32
    return %arg0, %c0_i32 : i32, i32
  }
}

module attributes {stable_mosaic.version = 14 : i64} {
  func.func @_mlp_body(%arg0: i32, %arg1: memref<4096x3xf32, #tpu.memory_space<vmem>>, %arg2: memref<3x32xf32, #tpu.memory_space<vmem>>, %arg3: memref<1x32xf32, #tpu.memory_space<vmem>>, %arg4: memref<32x32xf32, #tpu.memory_space<vmem>>, %arg5: memref<1x32xf32, #tpu.memory_space<vmem>>, %arg6: memref<32x64xf32, #tpu.memory_space<vmem>>, %arg7: memref<1x64xf32, #tpu.memory_space<vmem>>, %arg8: memref<64x1xf32, #tpu.memory_space<vmem>>, %arg9: memref<128x1xf32, #tpu.memory_space<vmem>>) attributes {dimension_semantics = [#tpu.dimension_semantics<arbitrary>], iteration_bounds = array<i64: 32>, scalar_prefetch = 0 : i64, scratch_operands = 0 : i64, tpu.core_type = #tpu.core_type<tc>, window_params = [{transform_indices = @transform_0, window_bounds = array<i64: 4096, 3>}, {pipeline_mode = #tpu.pipeline_mode<synchronous>, transform_indices = @transform_1, window_bounds = array<i64: 3, 32>}, {pipeline_mode = #tpu.pipeline_mode<synchronous>, transform_indices = @transform_2, window_bounds = array<i64: 1, 32>}, {pipeline_mode = #tpu.pipeline_mode<synchronous>, transform_indices = @transform_3, window_bounds = array<i64: 32, 32>}, {pipeline_mode = #tpu.pipeline_mode<synchronous>, transform_indices = @transform_4, window_bounds = array<i64: 1, 32>}, {pipeline_mode = #tpu.pipeline_mode<synchronous>, transform_indices = @transform_5, window_bounds = array<i64: 32, 64>}, {pipeline_mode = #tpu.pipeline_mode<synchronous>, transform_indices = @transform_6, window_bounds = array<i64: 1, 64>}, {pipeline_mode = #tpu.pipeline_mode<synchronous>, transform_indices = @transform_7, window_bounds = array<i64: 64, 1>}, {transform_indices = @transform_8, window_bounds = array<i64: 128, 1>}]} {
    %get3A = arith.constant 0 : index
    %get3A_0 = arith.constant 0 : index
    %get3A_1 = vector.load %arg1[%get3A, %get3A_0] : memref<4096x3xf32, #tpu.memory_space<vmem>>, vector<4096x3xf32>
    %get3A_2 = arith.constant 0 : index
    %get3A_3 = arith.constant 0 : index
    %get3A_4 = vector.load %arg2[%get3A_2, %get3A_3] : memref<3x32xf32, #tpu.memory_space<vmem>>, vector<3x32xf32>
    %dot_general3A = arith.constant dense<0.000000e+00> : vector<4096x32xf32>
    %dot_general3A_5 = tpu.matmul %get3A_1, %get3A_4, %dot_general3A {dimension_numbers = #tpu.dot_dimension_numbers<[1], [0], [0], [1], [0, 0, 1, 1], [], []>, transpose_lhs_hint = false} : vector<4096x3xf32>, vector<3x32xf32>, vector<4096x32xf32> -> vector<4096x32xf32>
    %get3A_6 = arith.constant 0 : index
    %get3A_7 = arith.constant 0 : index
    %get3A_8 = vector.load %arg3[%get3A_6, %get3A_7] : memref<1x32xf32, #tpu.memory_space<vmem>>, vector<1x32xf32>
    %add3A = vector.broadcast %get3A_8 : vector<1x32xf32> to vector<4096x32xf32>
    %add3A_9 = arith.addf %dot_general3A_5, %add3A : vector<4096x32xf32>
    %max3A = arith.constant 0.000000e+00 : f32
    %max3A_10 = vector.broadcast %max3A : f32 to vector<4096x32xf32>
    %max3A_11 = arith.maximumf %add3A_9, %max3A_10 : vector<4096x32xf32>
    %get3A_12 = arith.constant 0 : index
    %get3A_13 = arith.constant 0 : index
    %get3A_14 = vector.load %arg4[%get3A_12, %get3A_13] : memref<32x32xf32, #tpu.memory_space<vmem>>, vector<32x32xf32>
    %dot_general3A_15 = arith.constant dense<0.000000e+00> : vector<4096x32xf32>
    %dot_general3A_16 = tpu.matmul %max3A_11, %get3A_14, %dot_general3A_15 {dimension_numbers = #tpu.dot_dimension_numbers<[1], [0], [0], [1], [0, 0, 1, 1], [], []>, transpose_lhs_hint = false} : vector<4096x32xf32>, vector<32x32xf32>, vector<4096x32xf32> -> vector<4096x32xf32>
    %get3A_17 = arith.constant 0 : index
    %get3A_18 = arith.constant 0 : index
    %get3A_19 = vector.load %arg5[%get3A_17, %get3A_18] : memref<1x32xf32, #tpu.memory_space<vmem>>, vector<1x32xf32>
    %add3A_20 = vector.broadcast %get3A_19 : vector<1x32xf32> to vector<4096x32xf32>
    %add3A_21 = arith.addf %dot_general3A_16, %add3A_20 : vector<4096x32xf32>
    %max3A_22 = arith.constant 0.000000e+00 : f32
    %max3A_23 = vector.broadcast %max3A_22 : f32 to vector<4096x32xf32>
    %max3A_24 = arith.maximumf %add3A_21, %max3A_23 : vector<4096x32xf32>
    %get3A_25 = arith.constant 0 : index
    %get3A_26 = arith.constant 0 : index
    %get3A_27 = vector.load %arg6[%get3A_25, %get3A_26] : memref<32x64xf32, #tpu.memory_space<vmem>>, vector<32x64xf32>
    %dot_general3A_28 = arith.constant dense<0.000000e+00> : vector<4096x64xf32>
    %dot_general3A_29 = tpu.matmul %max3A_24, %get3A_27, %dot_general3A_28 {dimension_numbers = #tpu.dot_dimension_numbers<[1], [0], [0], [1], [0, 0, 1, 1], [], []>, transpose_lhs_hint = false} : vector<4096x32xf32>, vector<32x64xf32>, vector<4096x64xf32> -> vector<4096x64xf32>
    %get3A_30 = arith.constant 0 : index
    %get3A_31 = arith.constant 0 : index
    %get3A_32 = vector.load %arg7[%get3A_30, %get3A_31] : memref<1x64xf32, #tpu.memory_space<vmem>>, vector<1x64xf32>
    %add3A_33 = vector.broadcast %get3A_32 : vector<1x64xf32> to vector<4096x64xf32>
    %add3A_34 = arith.addf %dot_general3A_29, %add3A_33 : vector<4096x64xf32>
    %max3A_35 = arith.constant 0.000000e+00 : f32
    %max3A_36 = vector.broadcast %max3A_35 : f32 to vector<4096x64xf32>
    %max3A_37 = arith.maximumf %add3A_34, %max3A_36 : vector<4096x64xf32>
    %reshape3A = vector.shape_cast %max3A_37 : vector<4096x64xf32> to vector<128x32x64xf32>
    %reduce_max3A = arith.constant dense<0xFF800000> : vector<128x64xf32>
    %reduce_max3A_38 = vector.multi_reduction <maximumf>, %reshape3A, %reduce_max3A [1] : vector<128x32x64xf32> to vector<128x64xf32>
    %get3A_39 = arith.constant 0 : index
    %get3A_40 = arith.constant 0 : index
    %get3A_41 = vector.load %arg8[%get3A_39, %get3A_40] : memref<64x1xf32, #tpu.memory_space<vmem>>, vector<64x1xf32>
    %dot_general3A_42 = arith.constant dense<0.000000e+00> : vector<128x1xf32>
    %dot_general3A_43 = tpu.matmul %reduce_max3A_38, %get3A_41, %dot_general3A_42 {dimension_numbers = #tpu.dot_dimension_numbers<[1], [0], [0], [1], [0, 0, 1, 1], [], []>, transpose_lhs_hint = false} : vector<128x64xf32>, vector<64x1xf32>, vector<128x1xf32> -> vector<128x1xf32>
    %swap3A = arith.constant 0 : index
    %swap3A_44 = arith.constant 0 : index
    %swap3A_45 = vector.load %arg9[%swap3A, %swap3A_44] : memref<128x1xf32, #tpu.memory_space<vmem>>, vector<128x1xf32>
    tpu.vector_store %arg9[%swap3A, %swap3A_44], %dot_general3A_43 {strides = array<i32>} : memref<128x1xf32, #tpu.memory_space<vmem>>, vector<128x1xf32>,
    return
  }
  func.func @transform_0(%arg0: i32) -> (i32, i32) {
    %c0_i32 = arith.constant 0 : i32
    %c0_i32_0 = arith.constant 0 : i32
    return %arg0, %c0_i32 : i32, i32
  }
  func.func @transform_1(%arg0: i32) -> (i32, i32) {
    %c0_i32 = arith.constant 0 : i32
    %c0_i32_0 = arith.constant 0 : i32
    %c0_i32_1 = arith.constant 0 : i32
    return %c0_i32, %c0_i32_0 : i32, i32
  }
  func.func @transform_2(%arg0: i32) -> (i32, i32) {
    %c0_i32 = arith.constant 0 : i32
    %c0_i32_0 = arith.constant 0 : i32
    %c0_i32_1 = arith.constant 0 : i32
    return %c0_i32, %c0_i32_0 : i32, i32
  }
  func.func @transform_3(%arg0: i32) -> (i32, i32) {
    %c0_i32 = arith.constant 0 : i32
    %c0_i32_0 = arith.constant 0 : i32
    %c0_i32_1 = arith.constant 0 : i32
    return %c0_i32, %c0_i32_0 : i32, i32
  }
  func.func @transform_4(%arg0: i32) -> (i32, i32) {
    %c0_i32 = arith.constant 0 : i32
    %c0_i32_0 = arith.constant 0 : i32
    %c0_i32_1 = arith.constant 0 : i32
    return %c0_i32, %c0_i32_0 : i32, i32
  }
  func.func @transform_5(%arg0: i32) -> (i32, i32) {
    %c0_i32 = arith.constant 0 : i32
    %c0_i32_0 = arith.constant 0 : i32
    %c0_i32_1 = arith.constant 0 : i32
    return %c0_i32, %c0_i32_0 : i32, i32
  }
  func.func @transform_6(%arg0: i32) -> (i32, i32) {
    %c0_i32 = arith.constant 0 : i32
    %c0_i32_0 = arith.constant 0 : i32
    %c0_i32_1 = arith.constant 0 : i32
    return %c0_i32, %c0_i32_0 : i32, i32
  }
  func.func @transform_7(%arg0: i32) -> (i32, i32) {
    %c0_i32 = arith.constant 0 : i32
    %c0_i32_0 = arith.constant 0 : i32
    %c0_i32_1 = arith.constant 0 : i32
    return %c0_i32, %c0_i32_0 : i32, i32
  }
  func.func @transform_8(%arg0: i32) -> (i32, i32) {
    %c0_i32 = arith.constant 0 : i32
    %c0_i32_0 = arith.constant 0 : i32
    return %arg0, %c0_i32 : i32, i32
  }
}

module attributes {stable_mosaic.version = 14 : i64} {
  func.func @_mlp_body(%arg0: i32, %arg1: memref<4096x3xf32, #tpu.memory_space<vmem>>, %arg2: memref<3x16xf32, #tpu.memory_space<vmem>>, %arg3: memref<1x16xf32, #tpu.memory_space<vmem>>, %arg4: memref<16x16xf32, #tpu.memory_space<vmem>>, %arg5: memref<1x16xf32, #tpu.memory_space<vmem>>, %arg6: memref<16x32xf32, #tpu.memory_space<vmem>>, %arg7: memref<1x32xf32, #tpu.memory_space<vmem>>, %arg8: memref<32x1xf32, #tpu.memory_space<vmem>>, %arg9: memref<256x1xf32, #tpu.memory_space<vmem>>) attributes {dimension_semantics = [#tpu.dimension_semantics<arbitrary>], iteration_bounds = array<i64: 16>, scalar_prefetch = 0 : i64, scratch_operands = 0 : i64, tpu.core_type = #tpu.core_type<tc>, window_params = [{transform_indices = @transform_0, window_bounds = array<i64: 4096, 3>}, {pipeline_mode = #tpu.pipeline_mode<synchronous>, transform_indices = @transform_1, window_bounds = array<i64: 3, 16>}, {pipeline_mode = #tpu.pipeline_mode<synchronous>, transform_indices = @transform_2, window_bounds = array<i64: 1, 16>}, {pipeline_mode = #tpu.pipeline_mode<synchronous>, transform_indices = @transform_3, window_bounds = array<i64: 16, 16>}, {pipeline_mode = #tpu.pipeline_mode<synchronous>, transform_indices = @transform_4, window_bounds = array<i64: 1, 16>}, {pipeline_mode = #tpu.pipeline_mode<synchronous>, transform_indices = @transform_5, window_bounds = array<i64: 16, 32>}, {pipeline_mode = #tpu.pipeline_mode<synchronous>, transform_indices = @transform_6, window_bounds = array<i64: 1, 32>}, {pipeline_mode = #tpu.pipeline_mode<synchronous>, transform_indices = @transform_7, window_bounds = array<i64: 32, 1>}, {transform_indices = @transform_8, window_bounds = array<i64: 256, 1>}]} {
    %get3A = arith.constant 0 : index
    %get3A_0 = arith.constant 0 : index
    %get3A_1 = vector.load %arg1[%get3A, %get3A_0] : memref<4096x3xf32, #tpu.memory_space<vmem>>, vector<4096x3xf32>
    %get3A_2 = arith.constant 0 : index
    %get3A_3 = arith.constant 0 : index
    %get3A_4 = vector.load %arg2[%get3A_2, %get3A_3] : memref<3x16xf32, #tpu.memory_space<vmem>>, vector<3x16xf32>
    %dot_general3A = arith.constant dense<0.000000e+00> : vector<4096x16xf32>
    %dot_general3A_5 = tpu.matmul %get3A_1, %get3A_4, %dot_general3A {dimension_numbers = #tpu.dot_dimension_numbers<[1], [0], [0], [1], [0, 0, 1, 1], [], []>, transpose_lhs_hint = false} : vector<4096x3xf32>, vector<3x16xf32>, vector<4096x16xf32> -> vector<4096x16xf32>
    %get3A_6 = arith.constant 0 : index
    %get3A_7 = arith.constant 0 : index
    %get3A_8 = vector.load %arg3[%get3A_6, %get3A_7] : memref<1x16xf32, #tpu.memory_space<vmem>>, vector<1x16xf32>
    %add3A = vector.broadcast %get3A_8 : vector<1x16xf32> to vector<4096x16xf32>
    %add3A_9 = arith.addf %dot_general3A_5, %add3A : vector<4096x16xf32>
    %max3A = arith.constant 0.000000e+00 : f32
    %max3A_10 = vector.broadcast %max3A : f32 to vector<4096x16xf32>
    %max3A_11 = arith.maximumf %add3A_9, %max3A_10 : vector<4096x16xf32>
    %get3A_12 = arith.constant 0 : index
    %get3A_13 = arith.constant 0 : index
    %get3A_14 = vector.load %arg4[%get3A_12, %get3A_13] : memref<16x16xf32, #tpu.memory_space<vmem>>, vector<16x16xf32>
    %dot_general3A_15 = arith.constant dense<0.000000e+00> : vector<4096x16xf32>
    %dot_general3A_16 = tpu.matmul %max3A_11, %get3A_14, %dot_general3A_15 {dimension_numbers = #tpu.dot_dimension_numbers<[1], [0], [0], [1], [0, 0, 1, 1], [], []>, transpose_lhs_hint = false} : vector<4096x16xf32>, vector<16x16xf32>, vector<4096x16xf32> -> vector<4096x16xf32>
    %get3A_17 = arith.constant 0 : index
    %get3A_18 = arith.constant 0 : index
    %get3A_19 = vector.load %arg5[%get3A_17, %get3A_18] : memref<1x16xf32, #tpu.memory_space<vmem>>, vector<1x16xf32>
    %add3A_20 = vector.broadcast %get3A_19 : vector<1x16xf32> to vector<4096x16xf32>
    %add3A_21 = arith.addf %dot_general3A_16, %add3A_20 : vector<4096x16xf32>
    %max3A_22 = arith.constant 0.000000e+00 : f32
    %max3A_23 = vector.broadcast %max3A_22 : f32 to vector<4096x16xf32>
    %max3A_24 = arith.maximumf %add3A_21, %max3A_23 : vector<4096x16xf32>
    %get3A_25 = arith.constant 0 : index
    %get3A_26 = arith.constant 0 : index
    %get3A_27 = vector.load %arg6[%get3A_25, %get3A_26] : memref<16x32xf32, #tpu.memory_space<vmem>>, vector<16x32xf32>
    %dot_general3A_28 = arith.constant dense<0.000000e+00> : vector<4096x32xf32>
    %dot_general3A_29 = tpu.matmul %max3A_24, %get3A_27, %dot_general3A_28 {dimension_numbers = #tpu.dot_dimension_numbers<[1], [0], [0], [1], [0, 0, 1, 1], [], []>, transpose_lhs_hint = false} : vector<4096x16xf32>, vector<16x32xf32>, vector<4096x32xf32> -> vector<4096x32xf32>
    %get3A_30 = arith.constant 0 : index
    %get3A_31 = arith.constant 0 : index
    %get3A_32 = vector.load %arg7[%get3A_30, %get3A_31] : memref<1x32xf32, #tpu.memory_space<vmem>>, vector<1x32xf32>
    %add3A_33 = vector.broadcast %get3A_32 : vector<1x32xf32> to vector<4096x32xf32>
    %add3A_34 = arith.addf %dot_general3A_29, %add3A_33 : vector<4096x32xf32>
    %max3A_35 = arith.constant 0.000000e+00 : f32
    %max3A_36 = vector.broadcast %max3A_35 : f32 to vector<4096x32xf32>
    %max3A_37 = arith.maximumf %add3A_34, %max3A_36 : vector<4096x32xf32>
    %reshape3A = vector.shape_cast %max3A_37 : vector<4096x32xf32> to vector<256x16x32xf32>
    %reduce_max3A = arith.constant dense<0xFF800000> : vector<256x32xf32>
    %reduce_max3A_38 = vector.multi_reduction <maximumf>, %reshape3A, %reduce_max3A [1] : vector<256x16x32xf32> to vector<256x32xf32>
    %get3A_39 = arith.constant 0 : index
    %get3A_40 = arith.constant 0 : index
    %get3A_41 = vector.load %arg8[%get3A_39, %get3A_40] : memref<32x1xf32, #tpu.memory_space<vmem>>, vector<32x1xf32>
    %dot_general3A_42 = arith.constant dense<0.000000e+00> : vector<256x1xf32>
    %dot_general3A_43 = tpu.matmul %reduce_max3A_38, %get3A_41, %dot_general3A_42 {dimension_numbers = #tpu.dot_dimension_numbers<[1], [0], [0], [1], [0, 0, 1, 1], [], []>, transpose_lhs_hint = false} : vector<256x32xf32>, vector<32x1xf32>, vector<256x1xf32> -> vector<256x1xf32>
    %swap3A = arith.constant 0 : index
    %swap3A_44 = arith.constant 0 : index
    %swap3A_45 = vector.load %arg9[%swap3A, %swap3A_44] : memref<256x1xf32, #tpu.memory_space<vmem>>, vector<256x1xf32>
    tpu.vector_store %arg9[%swap3A, %swap3A_44], %dot_general3A_43 {strides = array<i32>} : memref<256x1xf32, #tpu.memory_space<vmem>>, vector<256x1xf32>,
    return
  }
  func.func @transform_0(%arg0: i32) -> (i32, i32) {
    %c0_i32 = arith.constant 0 : i32
    %c0_i32_0 = arith.constant 0 : i32
    return %arg0, %c0_i32 : i32, i32
  }
  func.func @transform_1(%arg0: i32) -> (i32, i32) {
    %c0_i32 = arith.constant 0 : i32
    %c0_i32_0 = arith.constant 0 : i32
    %c0_i32_1 = arith.constant 0 : i32
    return %c0_i32, %c0_i32_0 : i32, i32
  }
  func.func @transform_2(%arg0: i32) -> (i32, i32) {
    %c0_i32 = arith.constant 0 : i32
    %c0_i32_0 = arith.constant 0 : i32
    %c0_i32_1 = arith.constant 0 : i32
    return %c0_i32, %c0_i32_0 : i32, i32
  }
  func.func @transform_3(%arg0: i32) -> (i32, i32) {
    %c0_i32 = arith.constant 0 : i32
    %c0_i32_0 = arith.constant 0 : i32
    %c0_i32_1 = arith.constant 0 : i32
    return %c0_i32, %c0_i32_0 : i32, i32
  }
  func.func @transform_4(%arg0: i32) -> (i32, i32) {
    %c0_i32 = arith.constant 0 : i32
    %c0_i32_0 = arith.constant 0 : i32
    %c0_i32_1 = arith.constant 0 : i32
    return %c0_i32, %c0_i32_0 : i32, i32
  }
  func.func @transform_5(%arg0: i32) -> (i32, i32) {
    %c0_i32 = arith.constant 0 : i32
    %c0_i32_0 = arith.constant 0 : i32
    %c0_i32_1 = arith.constant 0 : i32
    return %c0_i32, %c0_i32_0 : i32, i32
  }
  func.func @transform_6(%arg0: i32) -> (i32, i32) {
    %c0_i32 = arith.constant 0 : i32
    %c0_i32_0 = arith.constant 0 : i32
    %c0_i32_1 = arith.constant 0 : i32
    return %c0_i32, %c0_i32_0 : i32, i32
  }
  func.func @transform_7(%arg0: i32) -> (i32, i32) {
    %c0_i32 = arith.constant 0 : i32
    %c0_i32_0 = arith.constant 0 : i32
    %c0_i32_1 = arith.constant 0 : i32
    return %c0_i32, %c0_i32_0 : i32, i32
  }
  func.func @transform_8(%arg0: i32) -> (i32, i32) {
    %c0_i32 = arith.constant 0 : i32
    %c0_i32_0 = arith.constant 0 : i32
    return %arg0, %c0_i32 : i32, i32
  }
}

</mosaic_0001>

<sc_bundles>
// kernel: kernel.8.cloned.1.call-start
scs
__scs_entry_jumppad:
0x0: {  	(pc) =	sbr.rel $0x88, $3  }
0x1: {  	(tag) =	ssettag $0x0;
	lr =	simm.s32 $0x1  }
0x2: {  	[smem:$0x3F8C] =	sst lr;
	_ =	strace $0xD0000000  }
0x3: {  	_ = 	snop  }
0x4: {  	_ = 	snop  }
0x5: {  	_ = 	snop  }
0x6: {  	_ = 	snop  }
0x7: {  	_ = 	snop  }
__scs_overlays_trampoline_lowered:
0x8: {  	[smem:$0x3F9B] =	sst s0  }
0x9: {  	[smem:$0x3F9C] =	sst s1  }
0xa: {  	[smem:$0x3F9D] =	sst s2  }
0xb: {  	[smem:$0x3F9E] =	sst s3  }
0xc: {  	[smem:$0x3F9F] =	sst s4  }
0xd: {  	[smem:$0x3FA0] =	sst s5  }
0xe: {  	[smem:$0x3FA1] =	sst s6  }
0xf: {  	[smem:$0x3FA2] =	sst s7  }
0x10: {  	[smem:$0x3FA3] =	sst s8  }
0x11: {  	[smem:$0x3FA4] =	sst s9;
	s0 =	simm.s32 @!p0 $0x0  }
0x12: {  	s1 =	sld [smem:$0x3F8A];
	s0 =	simm.s32 @p0 $0x1  }
0x13: {  	[smem:$0x3FA5] =	sst s0;
	s0 =	simm.s32 @!p1 $0x0  }
0x14: {  	s2 =	sld [smem:$0x3F89];
	s0 =	simm.s32 @p1 $0x1  }
0x15: {  	[smem:$0x3FA6] =	sst s0;
	s0 =	simm.s32 @!p2 $0x0  }
0x16: {  	s3 =	sld [smem:$0x3FDB];
	s0 =	simm.s32 @p2 $0x1  }
0x17: {  	s4 =	simm.s32 $0x1BF5;
	[smem:$0x3FA8] =	sst s0  }
0x18: {  	s0 =	sld [smem:$0x3F8B];
	_ =	swait.ge [sflag:s4], $0x0  }
0x19: {  	s7 =	sld [smem:$0x3F8C]  }
0x1a: {  	s8 =	sadd.s32 $0xFFFFE003, lr  }
0x1b: {  	s9 =	sadd.s32 $0xFFFFFEF7, lr;
	s5 =	simm.s32 $0xFFFFFFFF;
	p2 =	slt.u32 s8, $0xFFFFF086  }
0x1c: {  	p1 =	slt.u32 s9, $0xF7A;
	s5 =	simm.s32 @!p2 $0x0  }
0x1d: {  	s5 =	simm.s32 @p1 $0x1;
	p0 =	seq.s32 s7, s2  }
0x1e: {  	s7 =	smul.u32 @!p0 $0xF7A, s2;
	p2 =	seq.s32 @!p0 s5, $0x0  }
0x1f: {  	s9 =	smul.u32 $0xF7A, s1;
	s8 =	simm.s32 @!p0 $0x1BF5;
	p2 =	por !p2, p0  }
0x20: {  	[sflag:s8] =	ssyncset.s32 @!p0 $0xFFFFF086;
	s6 =	sadd.s32 @!p0 s3, s7;
	s7 =	simm.s32 @!p0 $0x108  }
0x21: {  	s3 =	sadd.s32 s3, s9;
	s6 =	sadd.s32 @!p0 $0x88, s6;
	s7 =	simm.s32 @p2 $0x1082  }
0x22: {  	[simem:s7], [sflag:s8] =	dma.local @!p0 [hbm:s6], $0xF7A  }
0x23: {  	s9 =	sor.u32 $0xD0000000, s2;
	s6 =	simm.s32 $0x108;
	_ =	swait.ge @!p0 [sflag:s8], $0x0  }
0x24: {  	s3 =	sadd.s32 $0x88, s3;
	s6 =	simm.s32 @!p1 $0x1082;
	[sflag:s4] =	ssyncset.s32 $0xFFFFF086  }
0x25: {  	[simem:s6], [sflag:s4] =	dma.local [hbm:s3], $0xF7A  }
0x26: {  	[smem:$0x3F8C] =	sst s1;
	(tag) =	ssettag s2;
	_ =	strace s9  }
0x27: {  	s1 =	sld [smem:$0x3F9C]  }
0x28: {  	s2 =	sld [smem:$0x3F9D]  }
0x29: {  	s4 =	sld [smem:$0x3F9F]  }
0x2a: {  	p0 =	seq.s32 s5, $0x0;
	s5 =	sld [smem:$0x3FA0]  }
0x2b: {  	s6 =	sld [smem:$0x3FA1]  }
0x2c: {  	s7 =	sld [smem:$0x3FA2]  }
0x2d: {  	s3 =	simm.s32 $0x108;
	s8 =	sld [smem:$0x3FA3]  }
0x2e: {  	s3 =	simm.s32 @!p0 $0x1082;
	s9 =	sld [smem:$0x3FA4]  }
0x2f: {  	lr =	sadd.s32 s0, s3;
	s0 =	sld [smem:$0x3F9B]  }
0x30: {  	s3 =	sld [smem:$0x3F9E]  }
0x31: {  	[smem:$0x3FA7] =	sst s10  }
0x32: {  	s10 =	sld [smem:$0x3FA5];
	_ =	sdelay $0x3  }
0x33: {  	p0 =	seq.s32 s10, $0x1;
	s10 =	sld [smem:$0x3FA7];
	_ =	sdelay $0x3  }
0x34: {  	[smem:$0x3FA7] =	sst s10  }
0x35: {  	s10 =	sld [smem:$0x3FA6];
	_ =	sdelay $0x3  }
0x36: {  	p1 =	seq.s32 s10, $0x1;
	s10 =	sld [smem:$0x3FA7];
	_ =	sdelay $0x3  }
0x37: {  	[smem:$0x3FA7] =	sst s10  }
0x38: {  	s10 =	sld [smem:$0x3FA8]  }
0x39: {  	_ = 	snop;
	(pc) =	sbr.ind lr, $3  }
0x3a: {  	_ = 	snop  }
0x3b: {  	_ = 	snop  }
0x3c: {  	p2 =	seq.s32 s10, $0x1;
	s10 =	sld [smem:$0x3FA7]  }
0x3d: {  	_ =	shalt  }
0x3e: {  	_ =	shalt  }
0x3f: {  	_ =	shalt  }
0x40: {  	_ =	shalt  }
0x41: {  	_ =	shalt  }
0x42: {  	_ =	shalt  }
0x43: {  	_ =	shalt  }
0x44: {  	_ =	shalt  }
0x45: {  	_ =	shalt  }
0x46: {  	_ =	shalt  }
0x47: {  	_ =	shalt  }
0x48: {  	_ =	shalt  }
0x49: {  	_ =	shalt  }
0x4a: {  	_ =	shalt  }
0x4b: {  	_ =	shalt  }
0x4c: {  	_ =	shalt  }
0x4d: {  	_ =	shalt  }
0x4e: {  	_ =	shalt  }
0x4f: {  	_ =	shalt  }
0x50: {  	_ =	shalt  }
0x51: {  	_ =	shalt  }
0x52: {  	_ =	shalt  }
0x53: {  	_ =	shalt  }
0x54: {  	_ =	shalt  }
0x55: {  	_ =	shalt  }
0x56: {  	_ =	shalt  }
0x57: {  	_ =	shalt  }
0x58: {  	_ =	shalt  }
0x59: {  	_ =	shalt  }
0x5a: {  	_ =	shalt  }
0x5b: {  	_ =	shalt  }
0x5c: {  	_ =	shalt  }
0x5d: {  	_ =	shalt  }
0x5e: {  	_ =	shalt  }
0x5f: {  	_ =	shalt  }
0x60: {  	_ =	shalt  }
0x61: {  	_ =	shalt  }
0x62: {  	_ =	shalt  }
0x63: {  	_ =	shalt  }
0x64: {  	_ =	shalt  }
0x65: {  	_ =	shalt  }
0x66: {  	_ =	shalt  }
0x67: {  	_ =	shalt  }
0x68: {  	_ =	shalt  }
0x69: {  	_ =	shalt  }
0x6a: {  	_ =	shalt  }
0x6b: {  	_ =	shalt  }
0x6c: {  	_ =	shalt  }
0x6d: {  	_ =	shalt  }
0x6e: {  	_ =	shalt  }
0x6f: {  	_ =	shalt  }
0x70: {  	_ =	shalt  }
0x71: {  	_ =	shalt  }
0x72: {  	_ =	shalt  }
0x73: {  	_ =	shalt  }
0x74: {  	_ =	shalt  }
0x75: {  	_ =	shalt  }
0x76: {  	_ =	shalt  }
0x77: {  	_ =	shalt  }
0x78: {  	_ =	shalt  }
0x79: {  	_ =	shalt  }
0x7a: {  	_ =	shalt  }
0x7b: {  	_ =	shalt  }
0x7c: {  	_ =	shalt  }
0x7d: {  	_ =	shalt  }
0x7e: {  	_ =	shalt  }
0x7f: {  	_ =	shalt  }
0x80: {  	_ =	shalt  }
0x81: {  	_ =	shalt  }
0x82: {  	_ =	shalt  }
0x83: {  	_ =	shalt  }
0x84: {  	_ =	shalt  }
0x85: {  	_ =	shalt  }
0x86: {  	_ =	shalt  }
0x87: {  	_ =	shalt  }
.Lfunc_end0:
.L_simem_size_0:
called_computation_lowered:
.L_overlay_start_0:
0x88: {  	s2 =	sld [smem:$0x3FD9]  }
0x89: {  	s3 =	sld [smem:$0x3FFE];
	_ =	sdelay $0x1  }
0x8a: {  	s1 =	srdreg.scid  }
0x8b: {  	s0 =	sand.u32 $0x1, s1  }
0x8c: {  	s17 =	sshll.u32 s0, $0xA;
	s2 =	sadd.s32 s3, s2  }
0x8d: {  	s2 =	sadd.s32 s2, s17  }
0x8e: {  	[smem:$0x3FB3] =	sst s2  }
0x8f: {  	_ = 	snop  }
0x90: {  	s2 =	sld [smem:$0x3FC9];
	(tm) =	ssettm $0x1  }
0x91: {  	s18 =	sld [smem:$0x3FFB];
	_ =	sdelay $0x3  }
0x92: {  	_ =	strace s18  }
0x93: {  	s3 =	sld [smem:$0x3FFC];
	_ =	sdelay $0x3  }
0x94: {  	_ =	strace s3  }
0x95: {  	s3 =	sld [smem:$0x3FFD];
	_ =	sdelay $0x3  }
0x96: {  	_ =	strace s3  }
0x97: {  	_ =	strace $0x8FFFFFFF  }
0x98: {  	s19 =	sld [smem:$0x3FDB];
	_ =	sdelay $0x1  }
0x99: {  	s4 =	simm.s32 $_scs_section_size  }
0x9a: {  	s5 =	simm.s32 $_size__tile_overlayer_lowered;
	s6 =	simm.s32 $_tile_overlayer_lowered  }
0x9b: {  	s22 =	simm.s32 $0x1BFF;
	s21 =	sshll.u32 s6, $0x1;
	s3 =	sadd.s32 s4, s19  }
0x9c: {  	s7 =	simm.s32 $0x0;
	s20 =	sshll.u32 s5, $0x1;
	s5 =	sadd.s32 s21, s3  }
0x9d: {  	[timem:s7], [sflag:s22] =	dma.local [hbm:s5], s20  }
0x9e: {  	_ =	swait.ge [sflag:s22], s20  }
0x9f: {  	s4 =	ssub.s32 $0x0, s20;
	[sflag:s22] =	ssyncset.done $0x0  }
0xa0: {  	[sflag:s22] =	ssyncadd.s32 s4;
	_ =	sdelay $0x1  }
0xa1: {  	s23 =	simm.s32 $0x1B8B  }
0xa2: {  	_ =	swait.ge [sflag:s23], $0x1  }
0xa3: {  	[sflag:s23] =	ssyncset.done $0x0  }
0xa4: {  	s25 =	simm.s32 $0x1B8E;
	s24 =	sld [smem:$0x3FFE];
	[sflag:s23] =	ssyncadd.s32 $0xFFFFFFFF  }
0xa5: {  	s26 =	simm.s32 $execute0_lowered;
	[smem:$0x3FD2] =	sst s25  }
0xa6: {  	s5 =	sshll.u32 s26, $0x1;
	_ =	strace $0x80000046;
	[dreg:$0x1] =	wrdreg $0xFFFFFFFF  }
0xa7: {  	s28 =	simm.s32 $_size_execute0_lowered;
	s3 =	sadd.s32 s3, s5;
	[dreg:$0x0] =	wrdreg $0x0  }
0xa8: {  	s5 =	sshll.u32 s28, $0x1;
	[dreg:$0x2] =	wrdreg s3  }
0xa9: {  	[dreg:$0x3] =	wrdreg s5  }
0xaa: {  	[dreg:$0x4] =	wrdreg $0xC0  }
0xab: {  	_ =	task [dreg:s7], $0x5FFFF  }
0xac: {  	[dreg:$0x1] =	wrdreg $0xFFFFFFFF  }
0xad: {  	[dreg:$0x0] =	wrdreg $0x60  }
0xae: {  	[dreg:$0x2] =	wrdreg s2  }
0xaf: {  	[dreg:$0x3] =	wrdreg s24  }
0xb0: {  	[dreg:$0x4] =	wrdreg $0x9  }
0xb1: {  	_ =	task.clear_ibuf [dreg:s7], $0x5FFFF;
	_ =	strace $0x90000046  }
0xb2: {  	s29 =	simm.s32 $0x9;
	_ =	strace $0x80000048  }
0xb3: {  	_ =	swait.ge [sflag:s29], $0x1  }
0xb4: {  	[sflag:s29] =	ssyncadd.s32 $0xFFFFFFFF  }
0xb5: {  	_ =	strace $0x90000048  }
0xb6: {  	_ =	sfence  }
0xb7: {  	s30 =	sld [smem:$0x0];
	_ =	sdelay $0x2  }
0xb8: {  	s31 =	sshll.u32 s1, $0xD;
	s1 =	sshrl.u32 s1, $0x2  }
0xb9: {  	s3 =	sand.u32 $0x4000, s31;
	s1 =	sadd.s32 s1, s30  }
0xba: {  	s0 =	sor.u32 s3, s0;
	s1 =	sshll.u32 s1, $0x11  }
0xbb: {  	s0 =	sor.u32 s1, s0  }
0xbc: {  	s0 =	sadd.s32 $0x8F2B, s0  }
0xbd: {  	[sflag:s0] =	ssyncadd.remote.s32 $0x1  }
0xbe: {  	_ =	sfence.sel $0xFFFF  }
0xbf: {  	[dreg:$0x0] =	wrdreg $0xFFFFFFFF;
	(pc) =	sbr.abs _section_cstart, $3  }
0xc0: {  	[dreg:$0x1] =	wrdreg $0xFFFFFFFF  }
0xc1: {  	_ =	task.clear_ibuf [dreg:s7], $0x2FFFF;
	_ =	strace $0x9FFFFFFF  }
0xc2: {  	(tm) =	ssettm $0x7FFFFFFF  }
0xc3: {  	_ =	shalt  }
tec
execute0_lowered:
.L_overlay_start_1:
0x0: {  	(tag) =	ssettag $0x1  }
0x1: {  	v0 =	vlaneseq.u32;
	v10 =	vimm.s32 $0x17E7B78;
	v11 =	vimm.s32 $0xD0A0704  }
0x2: {  	vm0 =	vcmask $0x1F10;
	v12 =	vimm.s32 $0x69666360;
	v13 =	vimm.s32 $0x75726F6C  }
0x3: {  	v14 =	vimm.s32 $0x27F7C79;
	v15 =	vimm.s32 $0xE0B0805;
	v16 =	vimm.s32 $0x6A676461  }
0x4: {  	v17 =	vimm.s32 $0x7673706D;
	v25 =	vimm.s32 $0x110E0B08;
	v26 =	vimm.s32 $0x79767370  }
0x5: {  	v31 =	vimm.s32 $0x1E1B1815;
	v34 =	vimm.s32 $0x7B787572;
	v35 =	vimm.s32 $0x704017E  }
0x6: {  	v1 =	vmul.u32 $0x3, v0;
	v4 =	vor.u32 $0x10, v0;
	v8 =	vor.u32 $0x20, v0  }
0x7: {  	v10 =	vunpack.c.0.s8.s32 v10;
	v11 =	vunpack.c.0.s8.s32 v11;
	v12 =	vunpack.c.0.s8.s32 v12  }
0x8: {  	v13 =	vunpack.c.0.s8.s32 v13;
	v14 =	vunpack.c.0.s8.s32 v14;
	v15 =	vunpack.c.0.s8.s32 v15  }
0x9: {  	v16 =	vunpack.c.0.s8.s32 v16;
	v17 =	vunpack.c.0.s8.s32 v17;
	v22 =	vor.u32 $0x40, v0  }
0xa: {  	v27 =	vunpack.c.0.s8.s32 v25;
	v25 =	vimm.s32 $0x1D1A1714;
	v29 =	vunpack.c.0.s8.s32 v26  }
0xb: {  	v26 =	vimm.s32 $0x120F0C09;
	v31 =	vunpack.c.0.s8.s32 v31;
	v34 =	vunpack.c.0.s8.s32 v34  }
0xc: {  	s2 =	rddreg [dreg:$0x0];
	v35 =	vunpack.c.0.s8.s32 v35;
	v28 =	vunpack.c.0.s8.s32 v25;
	v25 =	vimm.s32 $0x5027F7C  }
0xd: {  	s0 =	rddreg [dreg:$0x1];
	v32 =	vunpack.c.0.s8.s32 v26;
	v2 =	vadd.s32 $0x1, v1;
	v3 =	vadd.s32 $0x2, v1  }
0xe: {  	s1 =	simm.s32 $0x0;
	s3 =	srdreg.scid;
	s11 =	stileid.u32;
	v5 =	vadd.s32 $0x30, v1;
	v6 =	vadd.s32 $0x31, v1;
	v7 =	vadd.s32 $0x32, v1  }
0xf: {  	s18 =	simm.s32 $0x800;
	s19 =	simm.s32 $0x1000;
	s20 =	simm.s32 $0x1800;
	v9 =	vadd.s32 $0x60, v1;
	v10 =	vsel vm0, v11, v10;
	v11 =	vsel vm0, v13, v12  }
0x10: {  	s22 =	simm.s32 $0x1900;
	s28 =	simm.s32 $0x3C80;
	s29 =	simm.s32 $0x6C80;
	v12 =	vimm.s32 $0x3007D7A;
	v13 =	vsel vm0, v15, v14;
	v14 =	vsel vm0, v17, v16  }
0x11: {  	s16 =	simm.s32 $0x80;
	s17 =	simm.s32 $0x1;
	s30 =	simm.s32 $0x0;
	v16 =	vimm.s32 $0x6B686562;
	v17 =	vimm.s32 $0x7774716E;
	v19 =	vadd.s32 $0x11, v1  }
0x12: {  	[smem:$0x7FF] =	sst s1;
	s5 =	sand.u32 $0x1, s3;
	s4 =	sshrl.u32 s11, $0x3;
	v20 =	vadd.s32 $0x92, v1;
	v21 =	vadd.s32 $0x12, v1;
	v23 =	vor.u32 $0xC0, v1  }
0x13: {  	s23 =	sshll.u32 s11, $0x7;
	s8 =	sshll.u32 s11, $0x8;
	s12 =	sshll.u32 s11, $0x10;
	v24 =	vor.u32 $0x40, v1;
	v30 =	vunpack.c.0.s8.s32 v25;
	v25 =	vadd.s32 $0xC1, v1  }
0x14: {  	s6 =	sand.u32 $0x380, s23;
	s24 =	sshll.u32 s4, $0xB;
	s7 =	sshll.u32 s5, $0xA;
	v26 =	vadd.s32 $0x41, v1;
	v34 =	vsel vm0, v35, v34;
	v15 =	vunpack.c.0.s8.s32 v12  }
0x15: {  	s3 =	sshll.u32 s5, $0x7;
	_ =	strace $0x80000047;
	s4 =	sshll.u32 s4, $0xE;
	v12 =	vimm.s32 $0xF0C0906;
	v16 =	vunpack.c.0.s8.s32 v16;
	v17 =	vunpack.c.0.s8.s32 v17  }
0x16: {  	s31 =	ssub.s32 $0x2, s5;
	s12 =	sadd.s32 s12, s0;
	s23 =	simm.s32 $0x2180;
	v10 =	vcombine.low v11, v10;
	v11 =	vadd.s32 $0x61, v1;
	v28 =	vsel vm0, v28, v27  }
0x17: {  	s7 =	sor.u32 s7, s24;
	s8 =	sor.u32 s3, s8;
	s4 =	sor.u32 s6, s4;
	v27 =	vadd.s32 $0xC2, v1;
	v33 =	vsel vm0, v31, v32;
	v31 =	vimm.s32 $0x13100D0A  }
0x18: {  	s15 =	sshrl.u32 s31, $0x1;
	s12 =	sadd.s32 $0x4200, s12;
	s9 =	smul.u32 $0x6, s8;
	v32 =	vadd.s32 $0xF1, v1;
	v18 =	vunpack.c.0.s8.s32 v12;
	v12 =	vcombine.low v14, v13  }
0x19: {  	s24 =	simm.s32 $0x2280;
	s7 =	sor.u32 s6, s7;
	s25 =	smul.u32 $0xC, s8;
	v13 =	vadd.s32 $0x62, v1;
	v29 =	vsel vm0, v30, v29;
	v30 =	vimm.s32 $0x603007D  }
0x1a: {  	s4 =	sshrl.u32 s4, $0x3;
	s14 =	smul.u32 $0x30, s8;
	s7 =	sshrl.u32 s7, $0x3;
	v31 =	vunpack.c.0.s8.s32 v31;
	v28 =	vcombine.low v29, v28;
	v29 =	vimm.s32 $0x7A777471  }
0x1b: {  	s4 =	sadd.s32 s2, s4;
	s2 =	ssub.s32 s31, s15;
	s10 =	sadd.s32 s7, s0;
	v30 =	vunpack.c.0.s8.s32 v30;
	v14 =	vsel vm0, v18, v15;
	v15 =	vsel vm0, v17, v16  }
0x1c: {  	s26 =	sadd.s32 s9, s0;
	s13 =	sadd.s32 s25, s0;
	s5 =	sadd.s32 $0x1000, s4;
	v16 =	vadd.s32 $0x90, v1;
	v63 =	vunpack.c.0.s8.s32 v29;
	v29 =	vimm.s32 $0x1F1C1916  }
0x1d: {  	s6 =	sadd.s32 $0x2000, s4;
	s0 =	sadd.s32 s14, s0;
	s14 =	simm.s32 $0x400;
	v17 =	vadd.s32 $0x10, v1;
	v18 =	vadd.s32 $0x91, v1;
	v36 =	vunpack.c.0.s8.s32 v29  }
0x1e: {  	s7 =	sadd.s32 $0x3C00, s10;
	s8 =	sadd.s32 $0x3E00, s10;
	s9 =	sadd.s32 $0x4000, s10;
	v14 =	vcombine.low v15, v14;
	v15 =	vor.u32 $0x30, v0;
	v29 =	vadd.s32 $0x42, v1  }
0x1f: {  	s15 =	smax.u32 s2, $0x1;
	s10 =	sadd.s32 $0x140200, s26;
	s11 =	sadd.s32 $0x134200, s13;
	v37 =	vsel vm0, v30, v63;
	v30 =	vor.u32 $0x50, v0;
	v36 =	vsel vm0, v36, v31  }
0x20: {  	s25 =	simm.s32 $0x2380;
	s13 =	sadd.s32 $0x104200, s0;
	s26 =	simm.s32 $0x2480;
	v31 =	vadd.s32 $0xF0, v1;
	v33 =	vcombine.low v37, v33;
	v34 =	vcombine.low v34, v36  }
.LBB2_1:
0x21: {  	[tilespmem:s1], [sflag:$0x1] =	stream.strided.gather [hbm4b:s4+s16], $0x800, s14, s16, $0x38;
	[tilespmem:$0x12C80] =	vst v63  }
0x22: {  	_ =	swait.ge [sflag:s17], $0x800  }
0x23: {  	[sflag:s17] =	ssyncset.done $0x0  }
0x24: {  	[sflag:s17] =	ssyncadd.s32 $0xFFFFF800  }
0x25: {  	[tilespmem:s18], [sflag:$0x1] =	stream.strided.gather [hbm4b:s5+s16], $0x800, s14, s16, $0x38;
	[tilespmem:$0x12C80] =	vst v63  }
0x26: {  	_ =	swait.ge [sflag:s17], $0x800  }
0x27: {  	[sflag:s17] =	ssyncset.done $0x0  }
0x28: {  	[sflag:s17] =	ssyncadd.s32 $0xFFFFF800  }
0x29: {  	[tilespmem:s19], [sflag:$0x1] =	stream.strided.gather [hbm4b:s6+s16], $0x800, s14, s16, $0x38;
	[tilespmem:$0x12C80] =	vst v63  }
0x2a: {  	_ =	swait.ge [sflag:s17], $0x800  }
0x2b: {  	[sflag:s17] =	ssyncset.done $0x0  }
0x2c: {  	[sflag:s17] =	ssyncadd.s32 $0xFFFFF800  }
0x2d: {  	[tilespmem:s20], [sflag:$0x1] =	stream.linear.gather [hbm4b:s7+s1], $0x80, $0x38;
	[tilespmem:$0x12C80] =	vst v63  }
0x2e: {  	_ =	swait.ge [sflag:s17], $0x80  }
0x2f: {  	[sflag:s17] =	ssyncset.done $0x0  }
0x30: {  	s0 =	simm.s32 $0x1880;
	[sflag:s17] =	ssyncadd.s32 $0xFFFFFF80  }
0x31: {  	[tilespmem:s0], [sflag:$0x1] =	stream.linear.gather [hbm4b:s8+s1], $0x80, $0x38;
	[tilespmem:$0x12C80] =	vst v63  }
0x32: {  	_ =	swait.ge [sflag:s17], $0x80  }
0x33: {  	[sflag:s17] =	ssyncset.done $0x0  }
0x34: {  	[sflag:s17] =	ssyncadd.s32 $0xFFFFFF80  }
0x35: {  	[tilespmem:s22], [sflag:$0x1] =	stream.linear.gather [hbm4b:s9+s1], $0x80, $0x38;
	[tilespmem:$0x12C80] =	vst v63  }
0x36: {  	_ =	swait.ge [sflag:s17], $0x80  }
0x37: {  	[sflag:s17] =	ssyncset.done $0x0  }
0x38: {  	s31 =	simm.s32 $0x0;
	[sflag:s17] =	ssyncadd.s32 $0xFFFFFF80  }
.LBB2_2:
0x39: {  	s0 =	sadd.s32 s3, s31;
	s2 =	sshll.u32 s31, $0x4  }
0x3a: {  	s0 =	sshll.u32 s0, $0x8;
	s2 =	sand.u32 $0x70, s2  }
0x3b: {  	s0 =	sand.u32 $0xF800, s0;
	s2 =	sadd.s32 s2, s12  }
0x3c: {  	v35 =	vmov s31;
	s2 =	sadd.s32 s0, s2;
	s0 =	simm.s32 $0x1980  }
0x3d: {  	v36 =	vor.u32 $0x80, v35;
	[tilespmem:s0], [sflag:$0x1] =	stream.strided.gather [hbm4b:s2+s16], $0x800, s14, s16, $0x38;
	[tilespmem:$0x12C80] =	vst v63  }
0x3e: {  	_ =	swait.ge [sflag:s17], $0x800  }
0x3f: {  	v37 =	vor.u32 $0x100, v35;
	[sflag:s17] =	ssyncset.done $0x0  }
0x40: {  	[sflag:s17] =	ssyncadd.s32 $0xFFFFF800  }
0x41: {  	v35 =	vld.idx.msk [tilespmem:v35+s20+$0x0], $0xffff  }
0x42: {  	v36 =	vld.idx.msk [tilespmem:v36+s20+$0x0], $0xffff  }
0x43: {  	v41 =	vimm.s32 $0x0;
	v39 =	vimm.s32 $0x40000000;
	v40 =	vimm.s32 $0x0;
	v44 =	vld [tilespmem:s0+$0x0]  }
0x44: {  	s21 =	simm.s32 $0x10;
	v38 =	vimm.s32 $0x0;
	v42 =	vimm.s32 $0x40000000;
	v43 =	vimm.s32 $0x40000000;
	s2 =	simm.s32 $0x0;
	v37 =	vld.idx.msk [tilespmem:v37+s20+$0x0], $0xffff  }
.LBB2_3:
0x45: {  	p0 =	sne.s32 s21, $0x7F0;
	_ =	sdelay $0x2  }
0x46: {  	v45 =	vand.u32 $0x1, v44;
	v46 =	vand.u32 $0x2, v44  }
0x47: {  	v44 =	vand.u32 $0x4, v44;
	v47 =	vshrl.u32 v46, $0x1;
	(xrf0) =	vadd.scan.msk.s32 $0xffff, v45  }
0x48: {  	v48 =	vshrl.u32 v44, $0x2;
	(xrf0) =	vadd.scan.msk.s32 $0xffff, v47  }
0x49: {  	(xrf0) =	vadd.scan.msk.s32 $0xffff, v48;
	_ =	sdelay $0x3  }
0x4a: {  	v47, _, _ =	vpop (xrf0)  }
0x4b: {  	vm0 =	veq.s32 v45, $0x1;
	v48 =	vor.u32 s2, v0;
	s2 =	smov.u32 s21;
	v45 =	vadd.s32 v47, v41;
	v47, _, _ =	vpop (xrf0)  }
0x4c: {  	vm1 =	vne.s32 v46, $0x0;
	v45 =	vadd.s32 $0xFFFFFFFF, v45;
	v46 =	vadd.s32 v47, v40;
	v47, _, _ =	vpop (xrf0)  }
0x4d: {  	vm2 =	vlt.s32 v45, $0x10;
	v46 =	vadd.s32 $0xFFFFFFFF, v46;
	v47 =	vadd.s32 v47, v38  }
0x4e: {  	vm2 =	vmand vm2, vm0;
	vm3 =	vlt.s32 v46, $0x20;
	v47 =	vadd.s32 $0xFFFFFFFF, v47  }
0x4f: {  	vm4 =	vne.s32 v44, $0x0;
	vm3 =	vmand vm1, vm3;
	vm5 =	vlt.s32 v47, $0x80  }
0x50: {  	v44 =	vmpcnt.ones.xlane vm0;
	v49 =	vmpcnt.ones.xlane vm1;
	vm5 =	vmand vm4, vm5  }
0x51: {  	v51 =	vmpcnt.ones.xlane vm4;
	v50 =	vnsel vm1, $0x40000000, v48;
	v52 =	vnsel vm4, $0x40000000, v48  }
0x52: {  	v41 =	vadd.s32 v41, v44;
	v40 =	vadd.s32 v40, v49;
	vm1 =	vlt.s32 v39, v52  }
0x53: {  	v38 =	vadd.s32 v38, v51;
	vm4 =	vlt.s32 v42, v50;
	v39 =	vsel vm1, v39, v52  }
.Ltmp0:
0x54: {  	v44 =	vnsel vm0, $0x40000000, v48;
	v42 =	vsel vm4, v42, v50;
	[tilespmem:v45+s23+$0x0] =	vst.idx.msk vm2, v48;
	(pc) =	sbr.rel @p0 .LBB2_3-.Ltmp0, $4  }
0x55: {  	vm0 =	vlt.s32 v43, v44;
	[tilespmem:v46+s24+$0x0] =	vst.idx.msk vm3, v48  }
0x56: {  	s0 =	sadd.s32 $0x10, s0;
	v43 =	vsel vm0, v43, v44;
	[tilespmem:v47+s25+$0x0] =	vst.idx.msk vm5, v48  }
0x57: {  	v44 =	vld [tilespmem:s0+$0x0]  }
0x58: {  	s21 =	sadd.s32 $0x10, s21  }
0x59: {  	_ =	sdelay $0x2  }
0x5a: {  	v45 =	vand.u32 $0x1, v44  }
0x5b: {  	v46 =	vor.u32 s2, v0;
	vm2 =	veq.s32 v45, $0x1  }
0x5c: {  	v47 =	vand.u32 $0x2, v44;
	v48 =	vnsel vm2, $0x40000000, v46  }
0x5d: {  	v57 =	vand.u32 $0x4, v44;
	v49 =	vshrl.u32 v47, $0x1;
	(xrf0) =	vadd.scan.msk.s32 $0xffff, v45;
	vm0 =	vlt.s32 v43, v48  }
0x5e: {  	v58 =	vshrl.u32 v57, $0x2;
	(xrf0) =	vadd.scan.msk.s32 $0xffff, v49;
	v43 =	vsel vm0, v43, v48  }
0x5f: {  	(xrf0) =	vadd.scan.msk.s32 $0xffff, v58;
	v43 =	vxor.u32 $0x80000000, v43  }
0x60: {  	(xrf0) =	vmin.scan.msk.u32 $0xffff, v43;
	_ =	sdelay $0x2  }
0x61: {  	v59, _, _ =	vpop (xrf0)  }
0x62: {  	v60, _, _ =	vpop (xrf0)  }
0x63: {  	v61, _, _ =	vpop (xrf0)  }
0x64: {  	v62, _, _ =	vpop (xrf0)  }
0x65: {  	(v2sf) =	vpush v62, $0xF;
	_ =	sdelay $0x4  }
0x66: {  	vm1 =	vne.s32 v47, $0x0;
	v43 =	vadd.s32 v59, v41  }
0x67: {  	vm12 =	vne.s32 v57, $0x0;
	v45 =	vadd.s32 v60, v40;
	v43 =	vadd.s32 $0xFFFFFFFF, v43  }
0x68: {  	v45 =	vadd.s32 $0xFFFFFFFF, v45;
	vm11 =	vlt.s32 v43, $0x10;
	v63 =	vadd.s32 v61, v38  }
0x69: {  	vm3 =	vlt.s32 v45, $0x20;
	vm4 =	vmand vm11, vm2;
	v47 =	vadd.s32 $0xFFFFFFFF, v63  }
0x6a: {  	v48 =	vnsel vm1, $0x40000000, v46;
	vm3 =	vmand vm1, vm3;
	vm5 =	vlt.s32 v47, $0x80  }
0x6b: {  	vm6 =	vlt.s32 v42, v48;
	vm5 =	vmand vm12, vm5  }
0x6c: {  	v42 =	vsel vm6, v42, v48  }
0x6d: {  	v42 =	vxor.u32 $0x80000000, v42  }
0x6e: {  	(xrf0) =	vmin.scan.msk.u32 $0xffff, v42  }
0x6f: {  	[tilespmem:v43+s23+$0x0] =	vst.idx.msk vm4, v46  }
0x70: {  	[tilespmem:v45+s24+$0x0] =	vst.idx.msk vm3, v46;
	s0 =	spop (v2sf)  }
0x71: {  	[tilespmem:v47+s25+$0x0] =	vst.idx.msk vm5, v46;
	s0 =	sxor.u32 $0x80000000, s0  }
0x72: {  	v43 =	vld [tilespmem:$0x2180];
	v49 =	vmov s0  }
0x73: {  	v50 =	vmpcnt.ones.xlane vm2;
	vm13 =	vlt.s32 v49, $0x7FF  }
0x74: {  	v51, _, _ =	vpop (xrf0);
	v42 =	vnsel vm13, $0x7FF, v49  }
0x75: {  	v52 =	vadd.s32 v41, v50;
	(v2sf) =	vpush v51, $0xF;
	v42 =	vbroadcast v42, $0x0  }
0x76: {  	vm14 =	vgt.s32 v52, v0  }
0x77: {  	v41 =	vsel vm14, v43, v42;
	_ =	sdelay $0x4  }
0x78: {  	s21 =	smul.u32 $0x30, s31;
	v42 =	vld.idx.msk [tilespmem:v41+s1+$0x0], $0xffff  }
0x79: {  	v43 =	vld.idx.msk [tilespmem:v41+s18+$0x0], $0xffff  }
0x7a: {  	v53 =	vadd.s32 s21, v1;
	v41 =	vld.idx.msk [tilespmem:v41+s19+$0x0], $0xffff  }
0x7b: {  	v54 =	vadd.s32 s21, v2  }
0x7c: {  	v55 =	vadd.s32 s21, v3  }
0x7d: {  	v42 =	vsub.f32 v42, v35  }
0x7e: {  	v43 =	vsub.f32 v43, v36  }
0x7f: {  	v41 =	vsub.f32 v41, v37;
	[tilespmem:v53+s26+$0x0] =	vst.idx.msk $0xffff, v42  }
0x80: {  	s2 =	spop (v2sf);
	[tilespmem:v54+s26+$0x0] =	vst.idx.msk $0xffff, v43  }
0x81: {  	s0 =	sxor.u32 $0x80000000, s2;
	[tilespmem:v55+s26+$0x0] =	vst.idx.msk $0xffff, v41  }
0x82: {  	v56 =	vmov s0;
	v42 =	vld [tilespmem:$0x2280]  }
0x83: {  	v57 =	vmpcnt.ones.xlane vm1;
	vm15 =	vlt.s32 v56, $0x7FF  }
0x84: {  	v41 =	vnsel vm15, $0x7FF, v56  }
0x85: {  	v58 =	vadd.s32 v40, v57;
	v41 =	vbroadcast v41, $0x0  }
0x86: {  	vm4 =	vgt.s32 v58, v0  }
0x87: {  	v42 =	vsel vm4, v42, v41;
	_ =	sdelay $0x4  }
0x88: {  	s21 =	smul.u32 $0x60, s31;
	v59 =	vld.idx.msk [tilespmem:v42+s1+$0x0], $0xffff  }
0x89: {  	v44 =	vld.idx.msk [tilespmem:v42+s18+$0x0], $0xffff  }
0x8a: {  	v60 =	vnsel vm12, $0x40000000, v46;
	v61 =	vadd.s32 s21, v1;
	v42 =	vld.idx.msk [tilespmem:v42+s19+$0x0], $0xffff  }
0x8b: {  	v62 =	vadd.s32 s21, v2;
	vm5 =	vlt.s32 v39, v60  }
0x8c: {  	v63 =	vadd.s32 s21, v3;
	v39 =	vsel vm5, v39, v60  }
0x8d: {  	v39 =	vxor.u32 $0x80000000, v39;
	v43 =	vsub.f32 v59, v35  }
0x8e: {  	(xrf0) =	vmin.scan.msk.u32 $0xffff, v39;
	v44 =	vsub.f32 v44, v36  }
0x8f: {  	v48 =	vsub.f32 v42, v37;
	[tilespmem:v61+s28+$0x0] =	vst.idx.msk $0xffff, v43  }
0x90: {  	[tilespmem:v62+s28+$0x0] =	vst.idx.msk $0xffff, v44  }
0x91: {  	[tilespmem:v63+s28+$0x0] =	vst.idx.msk $0xffff, v48  }
0x92: {  	v39 =	vld [tilespmem:$0x2290];
	_ =	sdelay $0x1  }
0x93: {  	v49, _, _ =	vpop (xrf0)  }
0x94: {  	(v2sf) =	vpush v49, $0xF  }
0x95: {  	vm6 =	vgt.s32 v58, v4  }
0x96: {  	v39 =	vsel vm6, v39, v41;
	_ =	sdelay $0x4  }
0x97: {  	v50 =	vld.idx.msk [tilespmem:v39+s1+$0x0], $0xffff  }
0x98: {  	v41 =	vld.idx.msk [tilespmem:v39+s18+$0x0], $0xffff  }
0x99: {  	v51 =	vadd.s32 s21, v5;
	v39 =	vld.idx.msk [tilespmem:v39+s19+$0x0], $0xffff  }
0x9a: {  	v52 =	vadd.s32 s21, v6  }
0x9b: {  	v53 =	vadd.s32 s21, v7  }
0x9c: {  	v40 =	vsub.f32 v50, v35  }
0x9d: {  	v41 =	vsub.f32 v41, v36  }
0x9e: {  	v39 =	vsub.f32 v39, v37;
	[tilespmem:v51+s28+$0x0] =	vst.idx.msk $0xffff, v40  }
0x9f: {  	s2 =	spop (v2sf);
	[tilespmem:v52+s28+$0x0] =	vst.idx.msk $0xffff, v41  }
0xa0: {  	s0 =	sxor.u32 $0x80000000, s2;
	[tilespmem:v53+s28+$0x0] =	vst.idx.msk $0xffff, v39  }
0xa1: {  	v54 =	vmov s0;
	v40 =	vld [tilespmem:$0x2380]  }
0xa2: {  	v55 =	vmpcnt.ones.xlane vm12;
	vm7 =	vlt.s32 v54, $0x7FF  }
0xa3: {  	v56 =	vnsel vm7, $0x7FF, v54  }
0xa4: {  	v39 =	vadd.s32 v38, v55;
	v38 =	vbroadcast v56, $0x0  }
0xa5: {  	vm8 =	vgt.s32 v39, v0  }
0xa6: {  	v40 =	vsel vm8, v40, v38;
	_ =	sdelay $0x4  }
0xa7: {  	s21 =	smul.u32 $0x180, s31;
	v57 =	vld.idx.msk [tilespmem:v40+s1+$0x0], $0xffff  }
0xa8: {  	v58 =	vld.idx.msk [tilespmem:v40+s18+$0x0], $0xffff  }
0xa9: {  	v59 =	vor.u32 s21, v1;
	v40 =	vld.idx.msk [tilespmem:v40+s19+$0x0], $0xffff  }
0xaa: {  	v60 =	vor.u32 s21, v2  }
0xab: {  	v61 =	vor.u32 s21, v3  }
0xac: {  	v41 =	vsub.f32 v57, v35  }
0xad: {  	v42 =	vsub.f32 v58, v36  }
0xae: {  	v40 =	vsub.f32 v40, v37;
	[tilespmem:v59+s29+$0x0] =	vst.idx.msk $0xffff, v41  }
0xaf: {  	[tilespmem:v60+s29+$0x0] =	vst.idx.msk $0xffff, v42  }
0xb0: {  	[tilespmem:v61+s29+$0x0] =	vst.idx.msk $0xffff, v40  }
0xb1: {  	v40 =	vld [tilespmem:$0x2390];
	_ =	sdelay $0x3  }
0xb2: {  	vm9 =	vgt.s32 v39, v4  }
0xb3: {  	v40 =	vsel vm9, v40, v38;
	_ =	sdelay $0x4  }
0xb4: {  	v41 =	vld.idx.msk [tilespmem:v40+s1+$0x0], $0xffff  }
0xb5: {  	v42 =	vld.idx.msk [tilespmem:v40+s18+$0x0], $0xffff  }
0xb6: {  	v62 =	vor.u32 s21, v5;
	v40 =	vld.idx.msk [tilespmem:v40+s19+$0x0], $0xffff  }
0xb7: {  	v63 =	vor.u32 s21, v6  }
0xb8: {  	v48 =	vor.u32 s21, v7  }
0xb9: {  	v41 =	vsub.f32 v41, v35  }
0xba: {  	v42 =	vsub.f32 v42, v36  }
0xbb: {  	v40 =	vsub.f32 v40, v37;
	[tilespmem:v62+s29+$0x0] =	vst.idx.msk $0xffff, v41  }
0xbc: {  	[tilespmem:v63+s29+$0x0] =	vst.idx.msk $0xffff, v42  }
0xbd: {  	[tilespmem:v48+s29+$0x0] =	vst.idx.msk $0xffff, v40  }
0xbe: {  	v40 =	vld [tilespmem:$0x23A0];
	_ =	sdelay $0x3  }
0xbf: {  	vm10 =	vgt.s32 v39, v8  }
0xc0: {  	v40 =	vsel vm10, v40, v38;
	_ =	sdelay $0x4  }
0xc1: {  	v49 =	vadd.s32 s21, v9;
	v41 =	vld.idx.msk [tilespmem:v40+s1+$0x0], $0xffff  }
0xc2: {  	v50 =	vadd.s32 s21, v11;
	v42 =	vand.u32 $0x1FF80, v49;
	v43 =	vld.idx.msk [tilespmem:v40+s18+$0x0], $0xffff  }
0xc3: {  	v44 =	vand.u32 $0x1FF80, v50;
	v51 =	vadd.s32 s21, v13;
	v42 =	vor.u32 v10, v42;
	v40 =	vld.idx.msk [tilespmem:v40+s19+$0x0], $0xffff  }
0xc4: {  	v44 =	vor.u32 v12, v44;
	v45 =	vand.u32 $0x1FF80, v51  }
0xc5: {  	v45 =	vor.u32 v14, v45  }
0xc6: {  	v41 =	vsub.f32 v41, v35  }
0xc7: {  	v43 =	vsub.f32 v43, v36  }
0xc8: {  	v40 =	vsub.f32 v40, v37;
	[tilespmem:v42+s29+$0x0] =	vst.idx.msk $0xffff, v41  }
0xc9: {  	[tilespmem:v44+s29+$0x0] =	vst.idx.msk $0xffff, v43  }
0xca: {  	[tilespmem:v45+s29+$0x0] =	vst.idx.msk $0xffff, v40  }
0xcb: {  	v40 =	vld [tilespmem:$0x23B0];
	_ =	sdelay $0x3  }
0xcc: {  	vm11 =	vgt.s32 v39, v15  }
0xcd: {  	v40 =	vsel vm11, v40, v38;
	_ =	sdelay $0x4  }
0xce: {  	v52 =	vadd.s32 s21, v16;
	v41 =	vld.idx.msk [tilespmem:v40+s1+$0x0], $0xffff  }
0xcf: {  	v53 =	vadd.s32 s21, v18;
	v42 =	vand.u32 $0x1FF80, v52;
	v43 =	vld.idx.msk [tilespmem:v40+s18+$0x0], $0xffff  }
0xd0: {  	v54 =	vadd.s32 s21, v20;
	v42 =	vor.u32 v17, v42;
	v44 =	vand.u32 $0x1FF80, v53;
	v40 =	vld.idx.msk [tilespmem:v40+s19+$0x0], $0xffff  }
0xd1: {  	v44 =	vor.u32 v19, v44;
	v45 =	vand.u32 $0x1FF80, v54  }
0xd2: {  	v45 =	vor.u32 v21, v45  }
0xd3: {  	v41 =	vsub.f32 v41, v35  }
0xd4: {  	v43 =	vsub.f32 v43, v36  }
0xd5: {  	v40 =	vsub.f32 v40, v37;
	[tilespmem:v42+s29+$0x0] =	vst.idx.msk $0xffff, v41  }
0xd6: {  	[tilespmem:v44+s29+$0x0] =	vst.idx.msk $0xffff, v43  }
0xd7: {  	[tilespmem:v45+s29+$0x0] =	vst.idx.msk $0xffff, v40  }
0xd8: {  	v40 =	vld [tilespmem:$0x23C0];
	_ =	sdelay $0x3  }
0xd9: {  	vm12 =	vgt.s32 v39, v22  }
0xda: {  	v40 =	vsel vm12, v40, v38;
	_ =	sdelay $0x4  }
0xdb: {  	v55 =	vadd.s32 s21, v23;
	v41 =	vld.idx.msk [tilespmem:v40+s1+$0x0], $0xffff  }
0xdc: {  	v56 =	vadd.s32 s21, v25;
	v42 =	vand.u32 $0x1FF80, v55;
	v43 =	vld.idx.msk [tilespmem:v40+s18+$0x0], $0xffff  }
0xdd: {  	v57 =	vadd.s32 s21, v27;
	v42 =	vor.u32 v24, v42;
	v44 =	vand.u32 $0x1FF80, v56;
	v40 =	vld.idx.msk [tilespmem:v40+s19+$0x0], $0xffff  }
0xde: {  	v44 =	vor.u32 v26, v44;
	v45 =	vand.u32 $0x1FF80, v57  }
0xdf: {  	v45 =	vor.u32 v29, v45  }
0xe0: {  	v41 =	vsub.f32 v41, v35  }
0xe1: {  	v43 =	vsub.f32 v43, v36  }
0xe2: {  	v40 =	vsub.f32 v40, v37;
	[tilespmem:v42+s29+$0x0] =	vst.idx.msk $0xffff, v41  }
0xe3: {  	[tilespmem:v44+s29+$0x0] =	vst.idx.msk $0xffff, v43  }
0xe4: {  	[tilespmem:v45+s29+$0x0] =	vst.idx.msk $0xffff, v40  }
0xe5: {  	v40 =	vld [tilespmem:$0x23D0];
	_ =	sdelay $0x3  }
0xe6: {  	vm13 =	vgt.s32 v39, v30  }
0xe7: {  	v40 =	vsel vm13, v40, v38;
	_ =	sdelay $0x4  }
0xe8: {  	v58 =	vadd.s32 s21, v31;
	v41 =	vld.idx.msk [tilespmem:v40+s1+$0x0], $0xffff  }
0xe9: {  	v59 =	vadd.s32 s21, v32;
	v60 =	vadd.s32 $0xF2, v1;
	v42 =	vand.u32 $0x1FF80, v58;
	v43 =	vld.idx.msk [tilespmem:v40+s18+$0x0], $0xffff  }
0xea: {  	v42 =	vor.u32 v28, v42;
	v44 =	vand.u32 $0x1FF80, v59;
	v45 =	vadd.s32 s21, v60;
	v40 =	vld.idx.msk [tilespmem:v40+s19+$0x0], $0xffff  }
0xeb: {  	v44 =	vor.u32 v33, v44;
	v45 =	vand.u32 $0x1FF80, v45  }
0xec: {  	v45 =	vor.u32 v34, v45  }
0xed: {  	v41 =	vsub.f32 v41, v35  }
0xee: {  	v43 =	vsub.f32 v43, v36  }
0xef: {  	v40 =	vsub.f32 v40, v37;
	[tilespmem:v42+s29+$0x0] =	vst.idx.msk $0xffff, v41  }
0xf0: {  	[tilespmem:v44+s29+$0x0] =	vst.idx.msk $0xffff, v43  }
0xf1: {  	[tilespmem:v45+s29+$0x0] =	vst.idx.msk $0xffff, v40  }
0xf2: {  	v40 =	vld [tilespmem:$0x23E0];
	_ =	sdelay $0x2  }
0xf3: {  	v61 =	vor.u32 $0x60, v0  }
0xf4: {  	vm14 =	vgt.s32 v39, v61  }
0xf5: {  	v40 =	vsel vm14, v40, v38;
	_ =	sdelay $0x3  }
0xf6: {  	v50 =	vadd.s32 $0x122, v1;
	v62 =	vadd.s32 $0x120, v1  }
0xf7: {  	v51 =	vadd.s32 $0x21, v1;
	v48 =	vadd.s32 $0x121, v1;
	v41 =	vadd.s32 s21, v62;
	v42 =	vld.idx.msk [tilespmem:v40+s1+$0x0], $0xffff  }
0xf8: {  	v63 =	vadd.s32 $0x20, v1;
	v49 =	vadd.s32 s21, v48;
	v41 =	vand.u32 $0x1FF80, v41;
	v45 =	vld.idx.msk [tilespmem:v40+s18+$0x0], $0xffff  }
0xf9: {  	v43 =	vand.u32 $0x1FF80, v49;
	v44 =	vadd.s32 s21, v50;
	v41 =	vor.u32 v63, v41;
	v40 =	vld.idx.msk [tilespmem:v40+s19+$0x0], $0xffff  }
0xfa: {  	v52 =	vadd.s32 $0x22, v1;
	v43 =	vor.u32 v51, v43;
	v44 =	vand.u32 $0x1FF80, v44  }
0xfb: {  	v44 =	vor.u32 v52, v44  }
0xfc: {  	v42 =	vsub.f32 v42, v35  }
0xfd: {  	v45 =	vsub.f32 v45, v36  }
0xfe: {  	v40 =	vsub.f32 v40, v37;
	[tilespmem:v41+s29+$0x0] =	vst.idx.msk $0xffff, v42  }
0xff: {  	[tilespmem:v43+s29+$0x0] =	vst.idx.msk $0xffff, v45  }
0x100: {  	[tilespmem:v44+s29+$0x0] =	vst.idx.msk $0xffff, v40  }
0x101: {  	v40 =	vld [tilespmem:$0x23F0];
	_ =	sdelay $0x2  }
0x102: {  	v53 =	vor.u32 $0x70, v0  }
0x103: {  	vm15 =	vgt.s32 v39, v53  }
0x104: {  	v38 =	vsel vm15, v40, v38;
	_ =	sdelay $0x2  }
0x105: {  	v54 =	vadd.s32 $0x150, v1  }
0x106: {  	v39 =	vadd.s32 s21, v54  }
0x107: {  	v39 =	vand.u32 $0x1FF80, v39;
	v55 =	vadd.s32 $0x50, v1;
	v56 =	vadd.s32 $0x151, v1;
	v40 =	vld.idx.msk [tilespmem:v38+s1+$0x0], $0xffff  }
0x108: {  	v39 =	vor.u32 v55, v39;
	v57 =	vadd.s32 s21, v56;
	v58 =	vadd.s32 $0x152, v1;
	v43 =	vld.idx.msk [tilespmem:v38+s18+$0x0], $0xffff  }
0x109: {  	v59 =	vadd.s32 $0x51, v1;
	v41 =	vand.u32 $0x1FF80, v57;
	v42 =	vadd.s32 s21, v58;
	v38 =	vld.idx.msk [tilespmem:v38+s19+$0x0], $0xffff  }
0x10a: {  	s31 =	sadd.s32 $0x1, s31;
	v60 =	vadd.s32 $0x52, v1;
	v41 =	vor.u32 v59, v41;
	v42 =	vand.u32 $0x1FF80, v42  }
0x10b: {  	p0 =	sne.s32 s31, $0x80;
	v42 =	vor.u32 v60, v42  }
.Ltmp1:
0x10c: {  	v61 =	vsub.f32 v40, v35;
	(pc) =	sbr.rel @p0 .LBB2_2-.Ltmp1, $4  }
0x10d: {  	v62 =	vsub.f32 v43, v36  }
0x10e: {  	v63 =	vsub.f32 v38, v37;
	[tilespmem:v39+s29+$0x0] =	vst.idx.msk $0xffff, v61  }
0x10f: {  	[tilespmem:v41+s29+$0x0] =	vst.idx.msk $0xffff, v62  }
0x110: {  	[tilespmem:v42+s29+$0x0] =	vst.idx.msk $0xffff, v63  }
0x111: {  	[hbm4b:s10+s1] =	stream.linear.scatter [tilespmem:s26], [sflag:$0x1], $0x1800, $0x38;
	[tilespmem:$0x12C80] =	vst v63  }
0x112: {  	_ =	swait.ge [sflag:s17], $0x1800  }
0x113: {  	[sflag:s17] =	ssyncset.done $0x0  }
0x114: {  	[sflag:s17] =	ssyncadd.s32 $0xFFFFE800  }
0x115: {  	[hbm4b:s11+s1] =	stream.linear.scatter [tilespmem:s28], [sflag:$0x1], $0x3000, $0x38;
	[tilespmem:$0x12C80] =	vst v63  }
0x116: {  	s30 =	sadd.s32 $0x1, s30;
	_ =	swait.ge [sflag:s17], $0x3000  }
0x117: {  	p0 =	sne.s32 s30, s15;
	[sflag:s17] =	ssyncset.done $0x0  }
.Ltmp2:
0x118: {  	[sflag:s17] =	ssyncadd.s32 $0xFFFFD000;
	(pc) =	sbr.rel @p0 .LBB2_1-.Ltmp2, $4  }
0x119: {  	[hbm4b:s13+s1] =	stream.linear.scatter [tilespmem:s29], [sflag:$0x1], $0xC000, $0x38;
	[tilespmem:$0x12C80] =	vst v63  }
0x11a: {  	_ =	swait.ge [sflag:s17], $0xC000  }
0x11b: {  	[sflag:s17] =	ssyncset.done $0x0  }
0x11c: {  	[sflag:s17] =	ssyncadd.s32 $0xFFFF4000  }
0x11d: {  	_ =	sfence.sel $0x180000  }
0x11e: {  	[bflag:$0x0] =	sbarrier.arrive $0xFFFF  }
0x11f: {  	_ =	strace $0x90000047  }
0x120: {  	s0 =	stileid.u32;
	[bflag:$0x2] =	sbarrier.arrive $0xFFFF  }
0x121: {  	p0 =	sne.s32 s0, $0x0;
	s0 =	rddreg [dreg:$0x2]  }
0x122: {  	s0 =	sadd.s32 @!p0 $0x100000, s0  }
0x123: {  	[sflag:s0] =	ssyncadd.tile.s32 @!p0 $0x1;
	_ =	shalt  }
.Lfunc_end2:
_tile_overlayer_lowered:
.L_overlay_start_2:
0x124: {  	(tag) =	ssettag $0x2  }
0x125: {  	s0 =	rddreg [dreg:$0x0];
	s2 =	stileid.u32  }
0x126: {  	s1 =	rddreg [dreg:$0x1];
	p0 =	sne.s32 s2, $0x0  }
0x127: {  	s3 =	rddreg [dreg:$0x2];
	[bflag:$0x3] =	sbarrier.arrive $0xFFFF;
	s2 =	simm.s32 @!p0 $0x1C01  }
0x128: {  	[timem:s3], [sflag:s2] =	dma.local @!p0 [hbm:s0], s1  }
0x129: {  	s0 =	simm.s32 @!p0 $0x1  }
0x12a: {  	_ =	swait.ge @!p0 [sflag:s0], s1  }
0x12b: {  	s1 =	ssub.s32 @!p0 $0x0, s1;
	[sflag:s0] =	ssyncset.done @!p0 $0x0  }
0x12c: {  	[sflag:s0] =	ssyncadd.s32 @!p0 s1  }
0x12d: {  	[bflag:$0x3] =	sbarrier.arrive $0xFFFF  }
0x12e: {  	_ =	shalt  }

</sc_bundles>
